<compile_context>
chip_gen: v7x
topology: tpu7x:2x2x1
jax: 0.10.2.dev20260603
libtpu: 0.0.44.dev20260713+nightly
codegen_flags: <defaults>
</compile_context>

<pallas_src>
import functools

import jax
import jax.numpy as jnp
from jax import lax
from jax.experimental import pallas as pl
from jax.experimental.pallas import tpu as pltpu
from jax.experimental.pallas import tpu_sc as plsc

EMBED_DIM = 128
NBUF = 10


def _gather_t(idx_t, table):
    n_rows, n_cols = idx_t.shape
    info = plsc.get_sparse_core_info()
    num_workers = info.num_cores * info.num_subcores
    cols_per_w = n_cols // num_workers
    half = cols_per_w // 2
    n_units = n_rows * 2
    n_groups = n_units // NBUF

    mesh = plsc.VectorSubcoreMesh(core_axis_name="c", subcore_axis_name="s")

    @functools.partial(
        pl.kernel,
        mesh=mesh,
        out_type=jax.ShapeDtypeStruct((n_rows * n_cols, EMBED_DIM), jnp.float32),
        scratch_types=[
            pltpu.VMEM((n_rows, cols_per_w), jnp.int32),
        ] + [pltpu.VMEM((half, EMBED_DIM), jnp.float32)] * NBUF
          + [pltpu.SemaphoreType.DMA] * (2 * NBUF),
    )
    def k(idx_hbm, table_hbm, out_hbm, idx_v, *rest):
        bufs = rest[:NBUF]
        gsems = rest[NBUF:2 * NBUF]
        wsems = rest[2 * NBUF:]
        wid = lax.axis_index("s") * info.num_cores + lax.axis_index("c")
        col0 = wid * cols_per_w

        pltpu.sync_copy(idx_hbm.at[:, pl.ds(col0, cols_per_w)], idx_v)

        def unit_dst(u):
            return out_hbm.at[
                pl.ds((u // 2) * n_cols + col0 + (u % 2) * half, half)]

        def fire_gather(u, b):
            pltpu.async_copy(
                table_hbm.at[idx_v.at[u // 2, pl.ds((u % 2) * half, half)]],
                bufs[b], gsems[b])

        for b in range(NBUF):
            fire_gather(b, b)

        def body(g, carry):
            u0 = g * NBUF
            for b in range(NBUF):
                dst = unit_dst(u0 + b)
                pltpu.make_async_copy(dst, bufs[b], gsems[b]).wait()
                pltpu.async_copy(bufs[b], dst, wsems[b])
            for b in range(NBUF):
                pltpu.make_async_copy(bufs[b], unit_dst(u0 + b), wsems[b]).wait()

                @pl.when(u0 + b + NBUF < n_units)
                def _():
                    fire_gather(u0 + b + NBUF, b)
            return carry

        lax.fori_loop(0, n_groups, body, 0)

    return k(idx_t, table)


def kernel(x, table):
    b, s = x.shape
    idx_t = x.T.astype(jnp.int32)
    out = _gather_t(idx_t, table)
    return out.reshape(s, b, EMBED_DIM).transpose(1, 0, 2)

# --- scband reference (transcript-rebuilt; emitter-appended) ---
"""Pipeline reference for scband-euclidean-42949673114 (READ-ONLY COPY).

The authoritative reference and input builder live on the scoring server;
editing this copy changes nothing except your own understanding.
"""

import jax, jax.numpy as jnp
import numpy as np

NUM_EMBEDDINGS = 100000
EMBEDDING_DIM = 128

def setup_inputs(seed: int = 0) -> dict:
    key = jax.random.key(seed)
    k1, k2 = jax.random.split(key)
    x = jax.random.randint(k1, (4096, 50), 0, NUM_EMBEDDINGS, dtype=jnp.int64 if jax.config.jax_enable_x64 else jnp.int32)
    table = jax.random.normal(k2, (NUM_EMBEDDINGS, EMBEDDING_DIM), dtype=jnp.float32)
    return {"x": x, "table": table}

def reference(x, table):
    # Euclidean.forward: nn.Embedding lookup -> table gather along axis 0
    return jnp.take(table, x, axis=0)

if __name__ == "__main__":
    import jax
    _d = setup_inputs()
    print(jax.jit(kernel)(*tuple(_d.values())))

</pallas_src>

<mosaic_0001>
#map = affine_map<(d0, d1) -> (0, 0)>
module attributes {stable_mosaic.version = 14 : i64} {
  func.func @k(%arg0: i32, %arg1: i32, %arg2: memref<50x4096xi32, #tpu.memory_space<hbm>>, %arg3: memref<100000x128xf32, #tpu.memory_space<hbm>>, %arg4: memref<204800x128xf32, #tpu.memory_space<hbm>>, %arg5: memref<50x128xi32, #tpu.memory_space<vmem>>, %arg6: memref<64x128xf32, #tpu.memory_space<vmem>>, %arg7: memref<64x128xf32, #tpu.memory_space<vmem>>, %arg8: memref<64x128xf32, #tpu.memory_space<vmem>>, %arg9: memref<64x128xf32, #tpu.memory_space<vmem>>, %arg10: memref<64x128xf32, #tpu.memory_space<vmem>>, %arg11: memref<64x128xf32, #tpu.memory_space<vmem>>, %arg12: memref<64x128xf32, #tpu.memory_space<vmem>>, %arg13: memref<64x128xf32, #tpu.memory_space<vmem>>, %arg14: memref<64x128xf32, #tpu.memory_space<vmem>>, %arg15: memref<64x128xf32, #tpu.memory_space<vmem>>, %arg16: memref<!tpu.dma_semaphore, #tpu.memory_space<semaphore_mem>>, %arg17: memref<!tpu.dma_semaphore, #tpu.memory_space<semaphore_mem>>, %arg18: memref<!tpu.dma_semaphore, #tpu.memory_space<semaphore_mem>>, %arg19: memref<!tpu.dma_semaphore, #tpu.memory_space<semaphore_mem>>, %arg20: memref<!tpu.dma_semaphore, #tpu.memory_space<semaphore_mem>>, %arg21: memref<!tpu.dma_semaphore, #tpu.memory_space<semaphore_mem>>, %arg22: memref<!tpu.dma_semaphore, #tpu.memory_space<semaphore_mem>>, %arg23: memref<!tpu.dma_semaphore, #tpu.memory_space<semaphore_mem>>, %arg24: memref<!tpu.dma_semaphore, #tpu.memory_space<semaphore_mem>>, %arg25: memref<!tpu.dma_semaphore, #tpu.memory_space<semaphore_mem>>, %arg26: memref<!tpu.dma_semaphore, #tpu.memory_space<semaphore_mem>>, %arg27: memref<!tpu.dma_semaphore, #tpu.memory_space<semaphore_mem>>, %arg28: memref<!tpu.dma_semaphore, #tpu.memory_space<semaphore_mem>>, %arg29: memref<!tpu.dma_semaphore, #tpu.memory_space<semaphore_mem>>, %arg30: memref<!tpu.dma_semaphore, #tpu.memory_space<semaphore_mem>>, %arg31: memref<!tpu.dma_semaphore, #tpu.memory_space<semaphore_mem>>, %arg32: memref<!tpu.dma_semaphore, #tpu.memory_space<semaphore_mem>>, %arg33: memref<!tpu.dma_semaphore, #tpu.memory_space<semaphore_mem>>, %arg34: memref<!tpu.dma_semaphore, #tpu.memory_space<semaphore_mem>>, %arg35: memref<!tpu.dma_semaphore, #tpu.memory_space<semaphore_mem>>) attributes {dimension_semantics = [#tpu.dimension_semantics<core_parallel>, #tpu.dimension_semantics<subcore_parallel>], iteration_bounds = array<i64: 2, 16>, scalar_prefetch = 0 : i64, scratch_operands = 31 : i64, tpu.core_type = #tpu.core_type<sc_vector_subcore>, window_params = [{transform_indices = #map}, {transform_indices = #map}, {transform_indices = #map}]} {
    %mul3A = arith.constant 2 : i32
    %mul3A_0 = arith.muli %arg1, %mul3A : i32
    %add3A = arith.addi %mul3A_0, %arg0 : i32
    %mul3A_1 = arith.constant 128 : i32
    %mul3A_2 = arith.muli %add3A, %mul3A_1 : i32
    "tpu.region"() ({
      %run_scoped3A = tpu.sem_alloc : memref<!tpu.dma_semaphore, #tpu.memory_space<semaphore_mem>>
      %dma_start3A_77 = arith.constant 0 : i32
      %dma_start3A_78 = tpu.memref_slice %arg2[%dma_start3A_77, %mul3A_2] : memref<50x4096xi32, #tpu.memory_space<hbm>> -> memref<50x128xi32, #tpu.memory_space<hbm>>
      %dma_start3A_79 = arith.constant 0 : i32
      %dma_start3A_80 = tpu.memref_slice %arg2[%dma_start3A_79, %mul3A_2] : memref<50x4096xi32, #tpu.memory_space<hbm>> -> memref<50x128xi32, #tpu.memory_space<hbm>>
      tpu.enqueue_dma source(%dma_start3A_80 : memref<50x128xi32, #tpu.memory_space<hbm>>) target(%arg5 : memref<50x128xi32, #tpu.memory_space<vmem>>) target_semaphore(%run_scoped3A : memref<!tpu.dma_semaphore, #tpu.memory_space<semaphore_mem>>)
      %dma_wait3A = arith.constant 0 : i32
      %dma_wait3A_81 = tpu.memref_slice %arg2[%dma_wait3A, %mul3A_2] : memref<50x4096xi32, #tpu.memory_space<hbm>> -> memref<50x128xi32, #tpu.memory_space<hbm>>
      %dma_wait3A_82 = arith.constant 0 : i32
      %dma_wait3A_83 = tpu.memref_slice %arg2[%dma_wait3A_82, %mul3A_2] : memref<50x4096xi32, #tpu.memory_space<hbm>> -> memref<50x128xi32, #tpu.memory_space<hbm>>
      tpu.wait_dma2 semaphore(%run_scoped3A : memref<!tpu.dma_semaphore, #tpu.memory_space<semaphore_mem>>) src(%dma_wait3A_83 : memref<50x128xi32, #tpu.memory_space<hbm>>) dst(%arg5 : memref<50x128xi32, #tpu.memory_space<vmem>>)
      tpu.yield
    }) : () -> ()
    %dma_start3A = arith.constant 0 : i32
    %dma_start3A_3 = arith.constant 0 : i32
    %dma_start3A_4 = tpu.memref_slice %arg5[%dma_start3A, %dma_start3A_3] : memref<50x128xi32, #tpu.memory_space<vmem>> -> memref<1x64xi32, #tpu.memory_space<vmem>>
    %dma_start3A_5 = tpu.memref_squeeze %dma_start3A_4 : memref<1x64xi32, #tpu.memory_space<vmem>> -> memref<64xi32, #tpu.memory_space<vmem>>
    %dma_start3A_6 = arith.constant 0 : i32
    %dma_start3A_7 = arith.constant 0 : i32
    %dma_start3A_8 = tpu.memref_slice %arg3[%dma_start3A_6, %dma_start3A_7] : memref<100000x128xf32, #tpu.memory_space<hbm>> -> memref<100000x128xf32, #tpu.memory_space<hbm>>
    tpu.enqueue_indirect_dma source(%dma_start3A_8 : memref<100000x128xf32, #tpu.memory_space<hbm>>) target(%arg6 : memref<64x128xf32, #tpu.memory_space<vmem>>) offsets(%dma_start3A_5 : memref<64xi32, #tpu.memory_space<vmem>>) semaphore(%arg16 : memref<!tpu.dma_semaphore, #tpu.memory_space<semaphore_mem>>)
    %dma_start3A_9 = arith.constant 0 : i32
    %dma_start3A_10 = arith.constant 64 : i32
    %dma_start3A_11 = tpu.memref_slice %arg5[%dma_start3A_9, %dma_start3A_10] : memref<50x128xi32, #tpu.memory_space<vmem>> -> memref<1x64xi32, #tpu.memory_space<vmem>>
    %dma_start3A_12 = tpu.memref_squeeze %dma_start3A_11 : memref<1x64xi32, #tpu.memory_space<vmem>> -> memref<64xi32, #tpu.memory_space<vmem>>
    %dma_start3A_13 = arith.constant 0 : i32
    %dma_start3A_14 = arith.constant 0 : i32
    %dma_start3A_15 = tpu.memref_slice %arg3[%dma_start3A_13, %dma_start3A_14] : memref<100000x128xf32, #tpu.memory_space<hbm>> -> memref<100000x128xf32, #tpu.memory_space<hbm>>
    tpu.enqueue_indirect_dma source(%dma_start3A_15 : memref<100000x128xf32, #tpu.memory_space<hbm>>) target(%arg7 : memref<64x128xf32, #tpu.memory_space<vmem>>) offsets(%dma_start3A_12 : memref<64xi32, #tpu.memory_space<vmem>>) semaphore(%arg17 : memref<!tpu.dma_semaphore, #tpu.memory_space<semaphore_mem>>)
    %dma_start3A_16 = arith.constant 1 : i32
    %dma_start3A_17 = arith.constant 0 : i32
    %dma_start3A_18 = tpu.memref_slice %arg5[%dma_start3A_16, %dma_start3A_17] : memref<50x128xi32, #tpu.memory_space<vmem>> -> memref<1x64xi32, #tpu.memory_space<vmem>>
    %dma_start3A_19 = tpu.memref_squeeze %dma_start3A_18 : memref<1x64xi32, #tpu.memory_space<vmem>> -> memref<64xi32, #tpu.memory_space<vmem>>
    %dma_start3A_20 = arith.constant 0 : i32
    %dma_start3A_21 = arith.constant 0 : i32
    %dma_start3A_22 = tpu.memref_slice %arg3[%dma_start3A_20, %dma_start3A_21] : memref<100000x128xf32, #tpu.memory_space<hbm>> -> memref<100000x128xf32, #tpu.memory_space<hbm>>
    tpu.enqueue_indirect_dma source(%dma_start3A_22 : memref<100000x128xf32, #tpu.memory_space<hbm>>) target(%arg8 : memref<64x128xf32, #tpu.memory_space<vmem>>) offsets(%dma_start3A_19 : memref<64xi32, #tpu.memory_space<vmem>>) semaphore(%arg18 : memref<!tpu.dma_semaphore, #tpu.memory_space<semaphore_mem>>)
    %dma_start3A_23 = arith.constant 1 : i32
    %dma_start3A_24 = arith.constant 64 : i32
    %dma_start3A_25 = tpu.memref_slice %arg5[%dma_start3A_23, %dma_start3A_24] : memref<50x128xi32, #tpu.memory_space<vmem>> -> memref<1x64xi32, #tpu.memory_space<vmem>>
    %dma_start3A_26 = tpu.memref_squeeze %dma_start3A_25 : memref<1x64xi32, #tpu.memory_space<vmem>> -> memref<64xi32, #tpu.memory_space<vmem>>
    %dma_start3A_27 = arith.constant 0 : i32
    %dma_start3A_28 = arith.constant 0 : i32
    %dma_start3A_29 = tpu.memref_slice %arg3[%dma_start3A_27, %dma_start3A_28] : memref<100000x128xf32, #tpu.memory_space<hbm>> -> memref<100000x128xf32, #tpu.memory_space<hbm>>
    tpu.enqueue_indirect_dma source(%dma_start3A_29 : memref<100000x128xf32, #tpu.memory_space<hbm>>) target(%arg9 : memref<64x128xf32, #tpu.memory_space<vmem>>) offsets(%dma_start3A_26 : memref<64xi32, #tpu.memory_space<vmem>>) semaphore(%arg19 : memref<!tpu.dma_semaphore, #tpu.memory_space<semaphore_mem>>)
    %dma_start3A_30 = arith.constant 2 : i32
    %dma_start3A_31 = arith.constant 0 : i32
    %dma_start3A_32 = tpu.memref_slice %arg5[%dma_start3A_30, %dma_start3A_31] : memref<50x128xi32, #tpu.memory_space<vmem>> -> memref<1x64xi32, #tpu.memory_space<vmem>>
    %dma_start3A_33 = tpu.memref_squeeze %dma_start3A_32 : memref<1x64xi32, #tpu.memory_space<vmem>> -> memref<64xi32, #tpu.memory_space<vmem>>
    %dma_start3A_34 = arith.constant 0 : i32
    %dma_start3A_35 = arith.constant 0 : i32
    %dma_start3A_36 = tpu.memref_slice %arg3[%dma_start3A_34, %dma_start3A_35] : memref<100000x128xf32, #tpu.memory_space<hbm>> -> memref<100000x128xf32, #tpu.memory_space<hbm>>
    tpu.enqueue_indirect_dma source(%dma_start3A_36 : memref<100000x128xf32, #tpu.memory_space<hbm>>) target(%arg10 : memref<64x128xf32, #tpu.memory_space<vmem>>) offsets(%dma_start3A_33 : memref<64xi32, #tpu.memory_space<vmem>>) semaphore(%arg20 : memref<!tpu.dma_semaphore, #tpu.memory_space<semaphore_mem>>)
    %dma_start3A_37 = arith.constant 2 : i32
    %dma_start3A_38 = arith.constant 64 : i32
    %dma_start3A_39 = tpu.memref_slice %arg5[%dma_start3A_37, %dma_start3A_38] : memref<50x128xi32, #tpu.memory_space<vmem>> -> memref<1x64xi32, #tpu.memory_space<vmem>>
    %dma_start3A_40 = tpu.memref_squeeze %dma_start3A_39 : memref<1x64xi32, #tpu.memory_space<vmem>> -> memref<64xi32, #tpu.memory_space<vmem>>
    %dma_start3A_41 = arith.constant 0 : i32
    %dma_start3A_42 = arith.constant 0 : i32
    %dma_start3A_43 = tpu.memref_slice %arg3[%dma_start3A_41, %dma_start3A_42] : memref<100000x128xf32, #tpu.memory_space<hbm>> -> memref<100000x128xf32, #tpu.memory_space<hbm>>
    tpu.enqueue_indirect_dma source(%dma_start3A_43 : memref<100000x128xf32, #tpu.memory_space<hbm>>) target(%arg11 : memref<64x128xf32, #tpu.memory_space<vmem>>) offsets(%dma_start3A_40 : memref<64xi32, #tpu.memory_space<vmem>>) semaphore(%arg21 : memref<!tpu.dma_semaphore, #tpu.memory_space<semaphore_mem>>)
    %dma_start3A_44 = arith.constant 3 : i32
    %dma_start3A_45 = arith.constant 0 : i32
    %dma_start3A_46 = tpu.memref_slice %arg5[%dma_start3A_44, %dma_start3A_45] : memref<50x128xi32, #tpu.memory_space<vmem>> -> memref<1x64xi32, #tpu.memory_space<vmem>>
    %dma_start3A_47 = tpu.memref_squeeze %dma_start3A_46 : memref<1x64xi32, #tpu.memory_space<vmem>> -> memref<64xi32, #tpu.memory_space<vmem>>
    %dma_start3A_48 = arith.constant 0 : i32
    %dma_start3A_49 = arith.constant 0 : i32
    %dma_start3A_50 = tpu.memref_slice %arg3[%dma_start3A_48, %dma_start3A_49] : memref<100000x128xf32, #tpu.memory_space<hbm>> -> memref<100000x128xf32, #tpu.memory_space<hbm>>
    tpu.enqueue_indirect_dma source(%dma_start3A_50 : memref<100000x128xf32, #tpu.memory_space<hbm>>) target(%arg12 : memref<64x128xf32, #tpu.memory_space<vmem>>) offsets(%dma_start3A_47 : memref<64xi32, #tpu.memory_space<vmem>>) semaphore(%arg22 : memref<!tpu.dma_semaphore, #tpu.memory_space<semaphore_mem>>)
    %dma_start3A_51 = arith.constant 3 : i32
    %dma_start3A_52 = arith.constant 64 : i32
    %dma_start3A_53 = tpu.memref_slice %arg5[%dma_start3A_51, %dma_start3A_52] : memref<50x128xi32, #tpu.memory_space<vmem>> -> memref<1x64xi32, #tpu.memory_space<vmem>>
    %dma_start3A_54 = tpu.memref_squeeze %dma_start3A_53 : memref<1x64xi32, #tpu.memory_space<vmem>> -> memref<64xi32, #tpu.memory_space<vmem>>
    %dma_start3A_55 = arith.constant 0 : i32
    %dma_start3A_56 = arith.constant 0 : i32
    %dma_start3A_57 = tpu.memref_slice %arg3[%dma_start3A_55, %dma_start3A_56] : memref<100000x128xf32, #tpu.memory_space<hbm>> -> memref<100000x128xf32, #tpu.memory_space<hbm>>
    tpu.enqueue_indirect_dma source(%dma_start3A_57 : memref<100000x128xf32, #tpu.memory_space<hbm>>) target(%arg13 : memref<64x128xf32, #tpu.memory_space<vmem>>) offsets(%dma_start3A_54 : memref<64xi32, #tpu.memory_space<vmem>>) semaphore(%arg23 : memref<!tpu.dma_semaphore, #tpu.memory_space<semaphore_mem>>)
    %dma_start3A_58 = arith.constant 4 : i32
    %dma_start3A_59 = arith.constant 0 : i32
    %dma_start3A_60 = tpu.memref_slice %arg5[%dma_start3A_58, %dma_start3A_59] : memref<50x128xi32, #tpu.memory_space<vmem>> -> memref<1x64xi32, #tpu.memory_space<vmem>>
    %dma_start3A_61 = tpu.memref_squeeze %dma_start3A_60 : memref<1x64xi32, #tpu.memory_space<vmem>> -> memref<64xi32, #tpu.memory_space<vmem>>
    %dma_start3A_62 = arith.constant 0 : i32
    %dma_start3A_63 = arith.constant 0 : i32
    %dma_start3A_64 = tpu.memref_slice %arg3[%dma_start3A_62, %dma_start3A_63] : memref<100000x128xf32, #tpu.memory_space<hbm>> -> memref<100000x128xf32, #tpu.memory_space<hbm>>
    tpu.enqueue_indirect_dma source(%dma_start3A_64 : memref<100000x128xf32, #tpu.memory_space<hbm>>) target(%arg14 : memref<64x128xf32, #tpu.memory_space<vmem>>) offsets(%dma_start3A_61 : memref<64xi32, #tpu.memory_space<vmem>>) semaphore(%arg24 : memref<!tpu.dma_semaphore, #tpu.memory_space<semaphore_mem>>)
    %dma_start3A_65 = arith.constant 4 : i32
    %dma_start3A_66 = arith.constant 64 : i32
    %dma_start3A_67 = tpu.memref_slice %arg5[%dma_start3A_65, %dma_start3A_66] : memref<50x128xi32, #tpu.memory_space<vmem>> -> memref<1x64xi32, #tpu.memory_space<vmem>>
    %dma_start3A_68 = tpu.memref_squeeze %dma_start3A_67 : memref<1x64xi32, #tpu.memory_space<vmem>> -> memref<64xi32, #tpu.memory_space<vmem>>
    %dma_start3A_69 = arith.constant 0 : i32
    %dma_start3A_70 = arith.constant 0 : i32
    %dma_start3A_71 = tpu.memref_slice %arg3[%dma_start3A_69, %dma_start3A_70] : memref<100000x128xf32, #tpu.memory_space<hbm>> -> memref<100000x128xf32, #tpu.memory_space<hbm>>
    tpu.enqueue_indirect_dma source(%dma_start3A_71 : memref<100000x128xf32, #tpu.memory_space<hbm>>) target(%arg15 : memref<64x128xf32, #tpu.memory_space<vmem>>) offsets(%dma_start3A_68 : memref<64xi32, #tpu.memory_space<vmem>>) semaphore(%arg25 : memref<!tpu.dma_semaphore, #tpu.memory_space<semaphore_mem>>)
    %scan3A = arith.constant 0 : i32
    %scan3A_72 = arith.constant 0 : i32
    %scan3A_73 = arith.constant 10 : i32
    %scan3A_74 = arith.addi %scan3A_72, %scan3A_73 : i32
    %scan3A_75 = arith.constant 1 : i32
    scf.for %scan3A_77 = %scan3A_72 to %scan3A_74 step %scan3A_75  : i32 {
      %mul3A_78 = arith.constant 10 : i32
      %mul3A_79 = arith.muli %scan3A_77, %mul3A_78 : i32
      %add3A_80 = arith.constant 0 : i32
      %add3A_81 = arith.addi %mul3A_79, %add3A_80 : i32
      %jit3A = arith.constant 2 : i32
      %div3A = arith.divsi %add3A_81, %jit3A : i32
      %sign3A = arith.constant 0 : i32
      %sign3A_82 = arith.cmpi sgt, %add3A_81, %sign3A : i32
      %sign3A_83 = arith.extui %sign3A_82 : i1 to i32
      %sign3A_84 = arith.constant 0 : i32
      %sign3A_85 = arith.cmpi slt, %add3A_81, %sign3A_84 : i32
      %sign3A_86 = arith.extui %sign3A_85 : i1 to i32
      %sign3A_87 = arith.subi %sign3A_83, %sign3A_86 : i32
      %sign3A_88 = arith.constant 0 : i32
      %sign3A_89 = arith.cmpi sgt, %jit3A, %sign3A_88 : i32
      %sign3A_90 = arith.extui %sign3A_89 : i1 to i32
      %sign3A_91 = arith.constant 0 : i32
      %sign3A_92 = arith.cmpi slt, %jit3A, %sign3A_91 : i32
      %sign3A_93 = arith.extui %sign3A_92 : i1 to i32
      %sign3A_94 = arith.subi %sign3A_90, %sign3A_93 : i32
      %ne3A = arith.cmpi ne, %sign3A_87, %sign3A_94 : i32
      %rem3A = arith.remsi %add3A_81, %jit3A : i32
      %ne3A_95 = arith.constant 0 : i32
      %ne3A_96 = arith.cmpi ne, %rem3A, %ne3A_95 : i32
      %and3A = arith.andi %ne3A, %ne3A_96 : i1
      %sub3A = arith.constant 1 : i32
      %sub3A_97 = arith.subi %div3A, %sub3A : i32
      %select_n3A = arith.select %and3A, %sub3A_97, %div3A : i32
      %mul3A_98 = arith.constant 4096 : i32
      %mul3A_99 = arith.muli %select_n3A, %mul3A_98 : i32
      %add3A_100 = arith.addi %mul3A_99, %mul3A_2 : i32
      %jit3A_101 = arith.constant 2 : i32
      %eq3A = arith.constant 0 : i32
      %eq3A_102 = arith.cmpi eq, %jit3A_101, %eq3A : i32
      %jit3A_103 = arith.constant 1 : i32
      %select_n3A_104 = arith.select %eq3A_102, %jit3A_103, %jit3A_101 : i32
      %rem3A_105 = arith.remsi %add3A_81, %select_n3A_104 : i32
      %ne3A_106 = arith.constant 0 : i32
      %ne3A_107 = arith.cmpi ne, %rem3A_105, %ne3A_106 : i32
      %lt3A = arith.constant 0 : i32
      %lt3A_108 = arith.cmpi slt, %rem3A_105, %lt3A : i32
      %lt3A_109 = arith.constant 0 : i32
      %lt3A_110 = arith.cmpi slt, %select_n3A_104, %lt3A_109 : i32
      %ne3A_111 = arith.xori %lt3A_108, %lt3A_110 : i1
      %and3A_112 = arith.andi %ne3A_111, %ne3A_107 : i1
      %add3A_113 = arith.addi %rem3A_105, %select_n3A_104 : i32
      %select_n3A_114 = arith.select %and3A_112, %add3A_113, %rem3A_105 : i32
      %mul3A_115 = arith.constant 64 : i32
      %mul3A_116 = arith.muli %select_n3A_114, %mul3A_115 : i32
      %add3A_117 = arith.addi %add3A_100, %mul3A_116 : i32
      %dma_wait3A = arith.constant 0 : i32
      %dma_wait3A_118 = tpu.memref_slice %arg4[%add3A_117, %dma_wait3A] : memref<204800x128xf32, #tpu.memory_space<hbm>> -> memref<64x128xf32, #tpu.memory_space<hbm>>
      %dma_wait3A_119 = arith.constant 0 : i32
      %dma_wait3A_120 = tpu.memref_slice %arg4[%add3A_117, %dma_wait3A_119] : memref<204800x128xf32, #tpu.memory_space<hbm>> -> memref<64x128xf32, #tpu.memory_space<hbm>>
      tpu.wait_dma2 semaphore(%arg16 : memref<!tpu.dma_semaphore, #tpu.memory_space<semaphore_mem>>) src(%dma_wait3A_120 : memref<64x128xf32, #tpu.memory_space<hbm>>) dst(%arg6 : memref<64x128xf32, #tpu.memory_space<vmem>>)
      %dma_start3A_121 = arith.constant 0 : i32
      %dma_start3A_122 = tpu.memref_slice %arg4[%add3A_117, %dma_start3A_121] : memref<204800x128xf32, #tpu.memory_space<hbm>> -> memref<64x128xf32, #tpu.memory_space<hbm>>
      %dma_start3A_123 = arith.constant 0 : i32
      %dma_start3A_124 = tpu.memref_slice %arg4[%add3A_117, %dma_start3A_123] : memref<204800x128xf32, #tpu.memory_space<hbm>> -> memref<64x128xf32, #tpu.memory_space<hbm>>
      tpu.enqueue_dma source(%arg6 : memref<64x128xf32, #tpu.memory_space<vmem>>) target(%dma_start3A_124 : memref<64x128xf32, #tpu.memory_space<hbm>>) target_semaphore(%arg26 : memref<!tpu.dma_semaphore, #tpu.memory_space<semaphore_mem>>)
      %add3A_125 = arith.constant 1 : i32
      %add3A_126 = arith.addi %mul3A_79, %add3A_125 : i32
      %jit3A_127 = arith.constant 2 : i32
      %div3A_128 = arith.divsi %add3A_126, %jit3A_127 : i32
      %sign3A_129 = arith.constant 0 : i32
      %sign3A_130 = arith.cmpi sgt, %add3A_126, %sign3A_129 : i32
      %sign3A_131 = arith.extui %sign3A_130 : i1 to i32
      %sign3A_132 = arith.constant 0 : i32
      %sign3A_133 = arith.cmpi slt, %add3A_126, %sign3A_132 : i32
      %sign3A_134 = arith.extui %sign3A_133 : i1 to i32
      %sign3A_135 = arith.subi %sign3A_131, %sign3A_134 : i32
      %sign3A_136 = arith.constant 0 : i32
      %sign3A_137 = arith.cmpi sgt, %jit3A_127, %sign3A_136 : i32
      %sign3A_138 = arith.extui %sign3A_137 : i1 to i32
      %sign3A_139 = arith.constant 0 : i32
      %sign3A_140 = arith.cmpi slt, %jit3A_127, %sign3A_139 : i32
      %sign3A_141 = arith.extui %sign3A_140 : i1 to i32
      %sign3A_142 = arith.subi %sign3A_138, %sign3A_141 : i32
      %ne3A_143 = arith.cmpi ne, %sign3A_135, %sign3A_142 : i32
      %rem3A_144 = arith.remsi %add3A_126, %jit3A_127 : i32
      %ne3A_145 = arith.constant 0 : i32
      %ne3A_146 = arith.cmpi ne, %rem3A_144, %ne3A_145 : i32
      %and3A_147 = arith.andi %ne3A_143, %ne3A_146 : i1
      %sub3A_148 = arith.constant 1 : i32
      %sub3A_149 = arith.subi %div3A_128, %sub3A_148 : i32
      %select_n3A_150 = arith.select %and3A_147, %sub3A_149, %div3A_128 : i32
      %mul3A_151 = arith.constant 4096 : i32
      %mul3A_152 = arith.muli %select_n3A_150, %mul3A_151 : i32
      %add3A_153 = arith.addi %mul3A_152, %mul3A_2 : i32
      %jit3A_154 = arith.constant 2 : i32
      %eq3A_155 = arith.constant 0 : i32
      %eq3A_156 = arith.cmpi eq, %jit3A_154, %eq3A_155 : i32
      %jit3A_157 = arith.constant 1 : i32
      %select_n3A_158 = arith.select %eq3A_156, %jit3A_157, %jit3A_154 : i32
      %rem3A_159 = arith.remsi %add3A_126, %select_n3A_158 : i32
      %ne3A_160 = arith.constant 0 : i32
      %ne3A_161 = arith.cmpi ne, %rem3A_159, %ne3A_160 : i32
      %lt3A_162 = arith.constant 0 : i32
      %lt3A_163 = arith.cmpi slt, %rem3A_159, %lt3A_162 : i32
      %lt3A_164 = arith.constant 0 : i32
      %lt3A_165 = arith.cmpi slt, %select_n3A_158, %lt3A_164 : i32
      %ne3A_166 = arith.xori %lt3A_163, %lt3A_165 : i1
      %and3A_167 = arith.andi %ne3A_166, %ne3A_161 : i1
      %add3A_168 = arith.addi %rem3A_159, %select_n3A_158 : i32
      %select_n3A_169 = arith.select %and3A_167, %add3A_168, %rem3A_159 : i32
      %mul3A_170 = arith.constant 64 : i32
      %mul3A_171 = arith.muli %select_n3A_169, %mul3A_170 : i32
      %add3A_172 = arith.addi %add3A_153, %mul3A_171 : i32
      %dma_wait3A_173 = arith.constant 0 : i32
      %dma_wait3A_174 = tpu.memref_slice %arg4[%add3A_172, %dma_wait3A_173] : memref<204800x128xf32, #tpu.memory_space<hbm>> -> memref<64x128xf32, #tpu.memory_space<hbm>>
      %dma_wait3A_175 = arith.constant 0 : i32
      %dma_wait3A_176 = tpu.memref_slice %arg4[%add3A_172, %dma_wait3A_175] : memref<204800x128xf32, #tpu.memory_space<hbm>> -> memref<64x128xf32, #tpu.memory_space<hbm>>
      tpu.wait_dma2 semaphore(%arg17 : memref<!tpu.dma_semaphore, #tpu.memory_space<semaphore_mem>>) src(%dma_wait3A_176 : memref<64x128xf32, #tpu.memory_space<hbm>>) dst(%arg7 : memref<64x128xf32, #tpu.memory_space<vmem>>)
      %dma_start3A_177 = arith.constant 0 : i32
      %dma_start3A_178 = tpu.memref_slice %arg4[%add3A_172, %dma_start3A_177] : memref<204800x128xf32, #tpu.memory_space<hbm>> -> memref<64x128xf32, #tpu.memory_space<hbm>>
      %dma_start3A_179 = arith.constant 0 : i32
      %dma_start3A_180 = tpu.memref_slice %arg4[%add3A_172, %dma_start3A_179] : memref<204800x128xf32, #tpu.memory_space<hbm>> -> memref<64x128xf32, #tpu.memory_space<hbm>>
      tpu.enqueue_dma source(%arg7 : memref<64x128xf32, #tpu.memory_space<vmem>>) target(%dma_start3A_180 : memref<64x128xf32, #tpu.memory_space<hbm>>) target_semaphore(%arg27 : memref<!tpu.dma_semaphore, #tpu.memory_space<semaphore_mem>>)
      %add3A_181 = arith.constant 2 : i32
      %add3A_182 = arith.addi %mul3A_79, %add3A_181 : i32
      %jit3A_183 = arith.constant 2 : i32
      %div3A_184 = arith.divsi %add3A_182, %jit3A_183 : i32
      %sign3A_185 = arith.constant 0 : i32
      %sign3A_186 = arith.cmpi sgt, %add3A_182, %sign3A_185 : i32
      %sign3A_187 = arith.extui %sign3A_186 : i1 to i32
      %sign3A_188 = arith.constant 0 : i32
      %sign3A_189 = arith.cmpi slt, %add3A_182, %sign3A_188 : i32
      %sign3A_190 = arith.extui %sign3A_189 : i1 to i32
      %sign3A_191 = arith.subi %sign3A_187, %sign3A_190 : i32
      %sign3A_192 = arith.constant 0 : i32
      %sign3A_193 = arith.cmpi sgt, %jit3A_183, %sign3A_192 : i32
      %sign3A_194 = arith.extui %sign3A_193 : i1 to i32
      %sign3A_195 = arith.constant 0 : i32
      %sign3A_196 = arith.cmpi slt, %jit3A_183, %sign3A_195 : i32
      %sign3A_197 = arith.extui %sign3A_196 : i1 to i32
      %sign3A_198 = arith.subi %sign3A_194, %sign3A_197 : i32
      %ne3A_199 = arith.cmpi ne, %sign3A_191, %sign3A_198 : i32
      %rem3A_200 = arith.remsi %add3A_182, %jit3A_183 : i32
      %ne3A_201 = arith.constant 0 : i32
      %ne3A_202 = arith.cmpi ne, %rem3A_200, %ne3A_201 : i32
      %and3A_203 = arith.andi %ne3A_199, %ne3A_202 : i1
      %sub3A_204 = arith.constant 1 : i32
      %sub3A_205 = arith.subi %div3A_184, %sub3A_204 : i32
      %select_n3A_206 = arith.select %and3A_203, %sub3A_205, %div3A_184 : i32
      %mul3A_207 = arith.constant 4096 : i32
      %mul3A_208 = arith.muli %select_n3A_206, %mul3A_207 : i32
      %add3A_209 = arith.addi %mul3A_208, %mul3A_2 : i32
      %jit3A_210 = arith.constant 2 : i32
      %eq3A_211 = arith.constant 0 : i32
      %eq3A_212 = arith.cmpi eq, %jit3A_210, %eq3A_211 : i32
      %jit3A_213 = arith.constant 1 : i32
      %select_n3A_214 = arith.select %eq3A_212, %jit3A_213, %jit3A_210 : i32
      %rem3A_215 = arith.remsi %add3A_182, %select_n3A_214 : i32
      %ne3A_216 = arith.constant 0 : i32
      %ne3A_217 = arith.cmpi ne, %rem3A_215, %ne3A_216 : i32
      %lt3A_218 = arith.constant 0 : i32
      %lt3A_219 = arith.cmpi slt, %rem3A_215, %lt3A_218 : i32
      %lt3A_220 = arith.constant 0 : i32
      %lt3A_221 = arith.cmpi slt, %select_n3A_214, %lt3A_220 : i32
      %ne3A_222 = arith.xori %lt3A_219, %lt3A_221 : i1
      %and3A_223 = arith.andi %ne3A_222, %ne3A_217 : i1
      %add3A_224 = arith.addi %rem3A_215, %select_n3A_214 : i32
      %select_n3A_225 = arith.select %and3A_223, %add3A_224, %rem3A_215 : i32
      %mul3A_226 = arith.constant 64 : i32
      %mul3A_227 = arith.muli %select_n3A_225, %mul3A_226 : i32
      %add3A_228 = arith.addi %add3A_209, %mul3A_227 : i32
      %dma_wait3A_229 = arith.constant 0 : i32
      %dma_wait3A_230 = tpu.memref_slice %arg4[%add3A_228, %dma_wait3A_229] : memref<204800x128xf32, #tpu.memory_space<hbm>> -> memref<64x128xf32, #tpu.memory_space<hbm>>
      %dma_wait3A_231 = arith.constant 0 : i32
      %dma_wait3A_232 = tpu.memref_slice %arg4[%add3A_228, %dma_wait3A_231] : memref<204800x128xf32, #tpu.memory_space<hbm>> -> memref<64x128xf32, #tpu.memory_space<hbm>>
      tpu.wait_dma2 semaphore(%arg18 : memref<!tpu.dma_semaphore, #tpu.memory_space<semaphore_mem>>) src(%dma_wait3A_232 : memref<64x128xf32, #tpu.memory_space<hbm>>) dst(%arg8 : memref<64x128xf32, #tpu.memory_space<vmem>>)
      %dma_start3A_233 = arith.constant 0 : i32
      %dma_start3A_234 = tpu.memref_slice %arg4[%add3A_228, %dma_start3A_233] : memref<204800x128xf32, #tpu.memory_space<hbm>> -> memref<64x128xf32, #tpu.memory_space<hbm>>
      %dma_start3A_235 = arith.constant 0 : i32
      %dma_start3A_236 = tpu.memref_slice %arg4[%add3A_228, %dma_start3A_235] : memref<204800x128xf32, #tpu.memory_space<hbm>> -> memref<64x128xf32, #tpu.memory_space<hbm>>
      tpu.enqueue_dma source(%arg8 : memref<64x128xf32, #tpu.memory_space<vmem>>) target(%dma_start3A_236 : memref<64x128xf32, #tpu.memory_space<hbm>>) target_semaphore(%arg28 : memref<!tpu.dma_semaphore, #tpu.memory_space<semaphore_mem>>)
      %add3A_237 = arith.constant 3 : i32
      %add3A_238 = arith.addi %mul3A_79, %add3A_237 : i32
      %jit3A_239 = arith.constant 2 : i32
      %div3A_240 = arith.divsi %add3A_238, %jit3A_239 : i32
      %sign3A_241 = arith.constant 0 : i32
      %sign3A_242 = arith.cmpi sgt, %add3A_238, %sign3A_241 : i32
      %sign3A_243 = arith.extui %sign3A_242 : i1 to i32
      %sign3A_244 = arith.constant 0 : i32
      %sign3A_245 = arith.cmpi slt, %add3A_238, %sign3A_244 : i32
      %sign3A_246 = arith.extui %sign3A_245 : i1 to i32
      %sign3A_247 = arith.subi %sign3A_243, %sign3A_246 : i32
      %sign3A_248 = arith.constant 0 : i32
      %sign3A_249 = arith.cmpi sgt, %jit3A_239, %sign3A_248 : i32
      %sign3A_250 = arith.extui %sign3A_249 : i1 to i32
      %sign3A_251 = arith.constant 0 : i32
      %sign3A_252 = arith.cmpi slt, %jit3A_239, %sign3A_251 : i32
      %sign3A_253 = arith.extui %sign3A_252 : i1 to i32
      %sign3A_254 = arith.subi %sign3A_250, %sign3A_253 : i32
      %ne3A_255 = arith.cmpi ne, %sign3A_247, %sign3A_254 : i32
      %rem3A_256 = arith.remsi %add3A_238, %jit3A_239 : i32
      %ne3A_257 = arith.constant 0 : i32
      %ne3A_258 = arith.cmpi ne, %rem3A_256, %ne3A_257 : i32
      %and3A_259 = arith.andi %ne3A_255, %ne3A_258 : i1
      %sub3A_260 = arith.constant 1 : i32
      %sub3A_261 = arith.subi %div3A_240, %sub3A_260 : i32
      %select_n3A_262 = arith.select %and3A_259, %sub3A_261, %div3A_240 : i32
      %mul3A_263 = arith.constant 4096 : i32
      %mul3A_264 = arith.muli %select_n3A_262, %mul3A_263 : i32
      %add3A_265 = arith.addi %mul3A_264, %mul3A_2 : i32
      %jit3A_266 = arith.constant 2 : i32
      %eq3A_267 = arith.constant 0 : i32
      %eq3A_268 = arith.cmpi eq, %jit3A_266, %eq3A_267 : i32
      %jit3A_269 = arith.constant 1 : i32
      %select_n3A_270 = arith.select %eq3A_268, %jit3A_269, %jit3A_266 : i32
      %rem3A_271 = arith.remsi %add3A_238, %select_n3A_270 : i32
      %ne3A_272 = arith.constant 0 : i32
      %ne3A_273 = arith.cmpi ne, %rem3A_271, %ne3A_272 : i32
      %lt3A_274 = arith.constant 0 : i32
      %lt3A_275 = arith.cmpi slt, %rem3A_271, %lt3A_274 : i32
      %lt3A_276 = arith.constant 0 : i32
      %lt3A_277 = arith.cmpi slt, %select_n3A_270, %lt3A_276 : i32
      %ne3A_278 = arith.xori %lt3A_275, %lt3A_277 : i1
      %and3A_279 = arith.andi %ne3A_278, %ne3A_273 : i1
      %add3A_280 = arith.addi %rem3A_271, %select_n3A_270 : i32
      %select_n3A_281 = arith.select %and3A_279, %add3A_280, %rem3A_271 : i32
      %mul3A_282 = arith.constant 64 : i32
      %mul3A_283 = arith.muli %select_n3A_281, %mul3A_282 : i32
      %add3A_284 = arith.addi %add3A_265, %mul3A_283 : i32
      %dma_wait3A_285 = arith.constant 0 : i32
      %dma_wait3A_286 = tpu.memref_slice %arg4[%add3A_284, %dma_wait3A_285] : memref<204800x128xf32, #tpu.memory_space<hbm>> -> memref<64x128xf32, #tpu.memory_space<hbm>>
      %dma_wait3A_287 = arith.constant 0 : i32
      %dma_wait3A_288 = tpu.memref_slice %arg4[%add3A_284, %dma_wait3A_287] : memref<204800x128xf32, #tpu.memory_space<hbm>> -> memref<64x128xf32, #tpu.memory_space<hbm>>
      tpu.wait_dma2 semaphore(%arg19 : memref<!tpu.dma_semaphore, #tpu.memory_space<semaphore_mem>>) src(%dma_wait3A_288 : memref<64x128xf32, #tpu.memory_space<hbm>>) dst(%arg9 : memref<64x128xf32, #tpu.memory_space<vmem>>)
      %dma_start3A_289 = arith.constant 0 : i32
      %dma_start3A_290 = tpu.memref_slice %arg4[%add3A_284, %dma_start3A_289] : memref<204800x128xf32, #tpu.memory_space<hbm>> -> memref<64x128xf32, #tpu.memory_space<hbm>>
      %dma_start3A_291 = arith.constant 0 : i32
      %dma_start3A_292 = tpu.memref_slice %arg4[%add3A_284, %dma_start3A_291] : memref<204800x128xf32, #tpu.memory_space<hbm>> -> memref<64x128xf32, #tpu.memory_space<hbm>>
      tpu.enqueue_dma source(%arg9 : memref<64x128xf32, #tpu.memory_space<vmem>>) target(%dma_start3A_292 : memref<64x128xf32, #tpu.memory_space<hbm>>) target_semaphore(%arg29 : memref<!tpu.dma_semaphore, #tpu.memory_space<semaphore_mem>>)
      %add3A_293 = arith.constant 4 : i32
      %add3A_294 = arith.addi %mul3A_79, %add3A_293 : i32
      %jit3A_295 = arith.constant 2 : i32
      %div3A_296 = arith.divsi %add3A_294, %jit3A_295 : i32
      %sign3A_297 = arith.constant 0 : i32
      %sign3A_298 = arith.cmpi sgt, %add3A_294, %sign3A_297 : i32
      %sign3A_299 = arith.extui %sign3A_298 : i1 to i32
      %sign3A_300 = arith.constant 0 : i32
      %sign3A_301 = arith.cmpi slt, %add3A_294, %sign3A_300 : i32
      %sign3A_302 = arith.extui %sign3A_301 : i1 to i32
      %sign3A_303 = arith.subi %sign3A_299, %sign3A_302 : i32
      %sign3A_304 = arith.constant 0 : i32
      %sign3A_305 = arith.cmpi sgt, %jit3A_295, %sign3A_304 : i32
      %sign3A_306 = arith.extui %sign3A_305 : i1 to i32
      %sign3A_307 = arith.constant 0 : i32
      %sign3A_308 = arith.cmpi slt, %jit3A_295, %sign3A_307 : i32
      %sign3A_309 = arith.extui %sign3A_308 : i1 to i32
      %sign3A_310 = arith.subi %sign3A_306, %sign3A_309 : i32
      %ne3A_311 = arith.cmpi ne, %sign3A_303, %sign3A_310 : i32
      %rem3A_312 = arith.remsi %add3A_294, %jit3A_295 : i32
      %ne3A_313 = arith.constant 0 : i32
      %ne3A_314 = arith.cmpi ne, %rem3A_312, %ne3A_313 : i32
      %and3A_315 = arith.andi %ne3A_311, %ne3A_314 : i1
      %sub3A_316 = arith.constant 1 : i32
      %sub3A_317 = arith.subi %div3A_296, %sub3A_316 : i32
      %select_n3A_318 = arith.select %and3A_315, %sub3A_317, %div3A_296 : i32
      %mul3A_319 = arith.constant 4096 : i32
      %mul3A_320 = arith.muli %select_n3A_318, %mul3A_319 : i32
      %add3A_321 = arith.addi %mul3A_320, %mul3A_2 : i32
      %jit3A_322 = arith.constant 2 : i32
      %eq3A_323 = arith.constant 0 : i32
      %eq3A_324 = arith.cmpi eq, %jit3A_322, %eq3A_323 : i32
      %jit3A_325 = arith.constant 1 : i32
      %select_n3A_326 = arith.select %eq3A_324, %jit3A_325, %jit3A_322 : i32
      %rem3A_327 = arith.remsi %add3A_294, %select_n3A_326 : i32
      %ne3A_328 = arith.constant 0 : i32
      %ne3A_329 = arith.cmpi ne, %rem3A_327, %ne3A_328 : i32
      %lt3A_330 = arith.constant 0 : i32
      %lt3A_331 = arith.cmpi slt, %rem3A_327, %lt3A_330 : i32
      %lt3A_332 = arith.constant 0 : i32
      %lt3A_333 = arith.cmpi slt, %select_n3A_326, %lt3A_332 : i32
      %ne3A_334 = arith.xori %lt3A_331, %lt3A_333 : i1
      %and3A_335 = arith.andi %ne3A_334, %ne3A_329 : i1
      %add3A_336 = arith.addi %rem3A_327, %select_n3A_326 : i32
      %select_n3A_337 = arith.select %and3A_335, %add3A_336, %rem3A_327 : i32
      %mul3A_338 = arith.constant 64 : i32
      %mul3A_339 = arith.muli %select_n3A_337, %mul3A_338 : i32
      %add3A_340 = arith.addi %add3A_321, %mul3A_339 : i32
      %dma_wait3A_341 = arith.constant 0 : i32
      %dma_wait3A_342 = tpu.memref_slice %arg4[%add3A_340, %dma_wait3A_341] : memref<204800x128xf32, #tpu.memory_space<hbm>> -> memref<64x128xf32, #tpu.memory_space<hbm>>
      %dma_wait3A_343 = arith.constant 0 : i32
      %dma_wait3A_344 = tpu.memref_slice %arg4[%add3A_340, %dma_wait3A_343] : memref<204800x128xf32, #tpu.memory_space<hbm>> -> memref<64x128xf32, #tpu.memory_space<hbm>>
      tpu.wait_dma2 semaphore(%arg20 : memref<!tpu.dma_semaphore, #tpu.memory_space<semaphore_mem>>) src(%dma_wait3A_344 : memref<64x128xf32, #tpu.memory_space<hbm>>) dst(%arg10 : memref<64x128xf32, #tpu.memory_space<vmem>>)
      %dma_start3A_345 = arith.constant 0 : i32
      %dma_start3A_346 = tpu.memref_slice %arg4[%add3A_340, %dma_start3A_345] : memref<204800x128xf32, #tpu.memory_space<hbm>> -> memref<64x128xf32, #tpu.memory_space<hbm>>
      %dma_start3A_347 = arith.constant 0 : i32
      %dma_start3A_348 = tpu.memref_slice %arg4[%add3A_340, %dma_start3A_347] : memref<204800x128xf32, #tpu.memory_space<hbm>> -> memref<64x128xf32, #tpu.memory_space<hbm>>
      tpu.enqueue_dma source(%arg10 : memref<64x128xf32, #tpu.memory_space<vmem>>) target(%dma_start3A_348 : memref<64x128xf32, #tpu.memory_space<hbm>>) target_semaphore(%arg30 : memref<!tpu.dma_semaphore, #tpu.memory_space<semaphore_mem>>)
      %add3A_349 = arith.constant 5 : i32
      %add3A_350 = arith.addi %mul3A_79, %add3A_349 : i32
      %jit3A_351 = arith.constant 2 : i32
      %div3A_352 = arith.divsi %add3A_350, %jit3A_351 : i32
      %sign3A_353 = arith.constant 0 : i32
      %sign3A_354 = arith.cmpi sgt, %add3A_350, %sign3A_353 : i32
      %sign3A_355 = arith.extui %sign3A_354 : i1 to i32
      %sign3A_356 = arith.constant 0 : i32
      %sign3A_357 = arith.cmpi slt, %add3A_350, %sign3A_356 : i32
      %sign3A_358 = arith.extui %sign3A_357 : i1 to i32
      %sign3A_359 = arith.subi %sign3A_355, %sign3A_358 : i32
      %sign3A_360 = arith.constant 0 : i32
      %sign3A_361 = arith.cmpi sgt, %jit3A_351, %sign3A_360 : i32
      %sign3A_362 = arith.extui %sign3A_361 : i1 to i32
      %sign3A_363 = arith.constant 0 : i32
      %sign3A_364 = arith.cmpi slt, %jit3A_351, %sign3A_363 : i32
      %sign3A_365 = arith.extui %sign3A_364 : i1 to i32
      %sign3A_366 = arith.subi %sign3A_362, %sign3A_365 : i32
      %ne3A_367 = arith.cmpi ne, %sign3A_359, %sign3A_366 : i32
      %rem3A_368 = arith.remsi %add3A_350, %jit3A_351 : i32
      %ne3A_369 = arith.constant 0 : i32
      %ne3A_370 = arith.cmpi ne, %rem3A_368, %ne3A_369 : i32
      %and3A_371 = arith.andi %ne3A_367, %ne3A_370 : i1
      %sub3A_372 = arith.constant 1 : i32
      %sub3A_373 = arith.subi %div3A_352, %sub3A_372 : i32
      %select_n3A_374 = arith.select %and3A_371, %sub3A_373, %div3A_352 : i32
      %mul3A_375 = arith.constant 4096 : i32
      %mul3A_376 = arith.muli %select_n3A_374, %mul3A_375 : i32
      %add3A_377 = arith.addi %mul3A_376, %mul3A_2 : i32
      %jit3A_378 = arith.constant 2 : i32
      %eq3A_379 = arith.constant 0 : i32
      %eq3A_380 = arith.cmpi eq, %jit3A_378, %eq3A_379 : i32
      %jit3A_381 = arith.constant 1 : i32
      %select_n3A_382 = arith.select %eq3A_380, %jit3A_381, %jit3A_378 : i32
      %rem3A_383 = arith.remsi %add3A_350, %select_n3A_382 : i32
      %ne3A_384 = arith.constant 0 : i32
      %ne3A_385 = arith.cmpi ne, %rem3A_383, %ne3A_384 : i32
      %lt3A_386 = arith.constant 0 : i32
      %lt3A_387 = arith.cmpi slt, %rem3A_383, %lt3A_386 : i32
      %lt3A_388 = arith.constant 0 : i32
      %lt3A_389 = arith.cmpi slt, %select_n3A_382, %lt3A_388 : i32
      %ne3A_390 = arith.xori %lt3A_387, %lt3A_389 : i1
      %and3A_391 = arith.andi %ne3A_390, %ne3A_385 : i1
      %add3A_392 = arith.addi %rem3A_383, %select_n3A_382 : i32
      %select_n3A_393 = arith.select %and3A_391, %add3A_392, %rem3A_383 : i32
      %mul3A_394 = arith.constant 64 : i32
      %mul3A_395 = arith.muli %select_n3A_393, %mul3A_394 : i32
      %add3A_396 = arith.addi %add3A_377, %mul3A_395 : i32
      %dma_wait3A_397 = arith.constant 0 : i32
      %dma_wait3A_398 = tpu.memref_slice %arg4[%add3A_396, %dma_wait3A_397] : memref<204800x128xf32, #tpu.memory_space<hbm>> -> memref<64x128xf32, #tpu.memory_space<hbm>>
      %dma_wait3A_399 = arith.constant 0 : i32
      %dma_wait3A_400 = tpu.memref_slice %arg4[%add3A_396, %dma_wait3A_399] : memref<204800x128xf32, #tpu.memory_space<hbm>> -> memref<64x128xf32, #tpu.memory_space<hbm>>
      tpu.wait_dma2 semaphore(%arg21 : memref<!tpu.dma_semaphore, #tpu.memory_space<semaphore_mem>>) src(%dma_wait3A_400 : memref<64x128xf32, #tpu.memory_space<hbm>>) dst(%arg11 : memref<64x128xf32, #tpu.memory_space<vmem>>)
      %dma_start3A_401 = arith.constant 0 : i32
      %dma_start3A_402 = tpu.memref_slice %arg4[%add3A_396, %dma_start3A_401] : memref<204800x128xf32, #tpu.memory_space<hbm>> -> memref<64x128xf32, #tpu.memory_space<hbm>>
      %dma_start3A_403 = arith.constant 0 : i32
      %dma_start3A_404 = tpu.memref_slice %arg4[%add3A_396, %dma_start3A_403] : memref<204800x128xf32, #tpu.memory_space<hbm>> -> memref<64x128xf32, #tpu.memory_space<hbm>>
      tpu.enqueue_dma source(%arg11 : memref<64x128xf32, #tpu.memory_space<vmem>>) target(%dma_start3A_404 : memref<64x128xf32, #tpu.memory_space<hbm>>) target_semaphore(%arg31 : memref<!tpu.dma_semaphore, #tpu.memory_space<semaphore_mem>>)
      %add3A_405 = arith.constant 6 : i32
      %add3A_406 = arith.addi %mul3A_79, %add3A_405 : i32
      %jit3A_407 = arith.constant 2 : i32
      %div3A_408 = arith.divsi %add3A_406, %jit3A_407 : i32
      %sign3A_409 = arith.constant 0 : i32
      %sign3A_410 = arith.cmpi sgt, %add3A_406, %sign3A_409 : i32
      %sign3A_411 = arith.extui %sign3A_410 : i1 to i32
      %sign3A_412 = arith.constant 0 : i32
      %sign3A_413 = arith.cmpi slt, %add3A_406, %sign3A_412 : i32
      %sign3A_414 = arith.extui %sign3A_413 : i1 to i32
      %sign3A_415 = arith.subi %sign3A_411, %sign3A_414 : i32
      %sign3A_416 = arith.constant 0 : i32
      %sign3A_417 = arith.cmpi sgt, %jit3A_407, %sign3A_416 : i32
      %sign3A_418 = arith.extui %sign3A_417 : i1 to i32
      %sign3A_419 = arith.constant 0 : i32
      %sign3A_420 = arith.cmpi slt, %jit3A_407, %sign3A_419 : i32
      %sign3A_421 = arith.extui %sign3A_420 : i1 to i32
      %sign3A_422 = arith.subi %sign3A_418, %sign3A_421 : i32
      %ne3A_423 = arith.cmpi ne, %sign3A_415, %sign3A_422 : i32
      %rem3A_424 = arith.remsi %add3A_406, %jit3A_407 : i32
      %ne3A_425 = arith.constant 0 : i32
      %ne3A_426 = arith.cmpi ne, %rem3A_424, %ne3A_425 : i32
      %and3A_427 = arith.andi %ne3A_423, %ne3A_426 : i1
      %sub3A_428 = arith.constant 1 : i32
      %sub3A_429 = arith.subi %div3A_408, %sub3A_428 : i32
      %select_n3A_430 = arith.select %and3A_427, %sub3A_429, %div3A_408 : i32
      %mul3A_431 = arith.constant 4096 : i32
      %mul3A_432 = arith.muli %select_n3A_430, %mul3A_431 : i32
      %add3A_433 = arith.addi %mul3A_432, %mul3A_2 : i32
      %jit3A_434 = arith.constant 2 : i32
      %eq3A_435 = arith.constant 0 : i32
      %eq3A_436 = arith.cmpi eq, %jit3A_434, %eq3A_435 : i32
      %jit3A_437 = arith.constant 1 : i32
      %select_n3A_438 = arith.select %eq3A_436, %jit3A_437, %jit3A_434 : i32
      %rem3A_439 = arith.remsi %add3A_406, %select_n3A_438 : i32
      %ne3A_440 = arith.constant 0 : i32
      %ne3A_441 = arith.cmpi ne, %rem3A_439, %ne3A_440 : i32
      %lt3A_442 = arith.constant 0 : i32
      %lt3A_443 = arith.cmpi slt, %rem3A_439, %lt3A_442 : i32
      %lt3A_444 = arith.constant 0 : i32
      %lt3A_445 = arith.cmpi slt, %select_n3A_438, %lt3A_444 : i32
      %ne3A_446 = arith.xori %lt3A_443, %lt3A_445 : i1
      %and3A_447 = arith.andi %ne3A_446, %ne3A_441 : i1
      %add3A_448 = arith.addi %rem3A_439, %select_n3A_438 : i32
      %select_n3A_449 = arith.select %and3A_447, %add3A_448, %rem3A_439 : i32
      %mul3A_450 = arith.constant 64 : i32
      %mul3A_451 = arith.muli %select_n3A_449, %mul3A_450 : i32
      %add3A_452 = arith.addi %add3A_433, %mul3A_451 : i32
      %dma_wait3A_453 = arith.constant 0 : i32
      %dma_wait3A_454 = tpu.memref_slice %arg4[%add3A_452, %dma_wait3A_453] : memref<204800x128xf32, #tpu.memory_space<hbm>> -> memref<64x128xf32, #tpu.memory_space<hbm>>
      %dma_wait3A_455 = arith.constant 0 : i32
      %dma_wait3A_456 = tpu.memref_slice %arg4[%add3A_452, %dma_wait3A_455] : memref<204800x128xf32, #tpu.memory_space<hbm>> -> memref<64x128xf32, #tpu.memory_space<hbm>>
      tpu.wait_dma2 semaphore(%arg22 : memref<!tpu.dma_semaphore, #tpu.memory_space<semaphore_mem>>) src(%dma_wait3A_456 : memref<64x128xf32, #tpu.memory_space<hbm>>) dst(%arg12 : memref<64x128xf32, #tpu.memory_space<vmem>>)
      %dma_start3A_457 = arith.constant 0 : i32
      %dma_start3A_458 = tpu.memref_slice %arg4[%add3A_452, %dma_start3A_457] : memref<204800x128xf32, #tpu.memory_space<hbm>> -> memref<64x128xf32, #tpu.memory_space<hbm>>
      %dma_start3A_459 = arith.constant 0 : i32
      %dma_start3A_460 = tpu.memref_slice %arg4[%add3A_452, %dma_start3A_459] : memref<204800x128xf32, #tpu.memory_space<hbm>> -> memref<64x128xf32, #tpu.memory_space<hbm>>
      tpu.enqueue_dma source(%arg12 : memref<64x128xf32, #tpu.memory_space<vmem>>) target(%dma_start3A_460 : memref<64x128xf32, #tpu.memory_space<hbm>>) target_semaphore(%arg32 : memref<!tpu.dma_semaphore, #tpu.memory_space<semaphore_mem>>)
      %add3A_461 = arith.constant 7 : i32
      %add3A_462 = arith.addi %mul3A_79, %add3A_461 : i32
      %jit3A_463 = arith.constant 2 : i32
      %div3A_464 = arith.divsi %add3A_462, %jit3A_463 : i32
      %sign3A_465 = arith.constant 0 : i32
      %sign3A_466 = arith.cmpi sgt, %add3A_462, %sign3A_465 : i32
      %sign3A_467 = arith.extui %sign3A_466 : i1 to i32
      %sign3A_468 = arith.constant 0 : i32
      %sign3A_469 = arith.cmpi slt, %add3A_462, %sign3A_468 : i32
      %sign3A_470 = arith.extui %sign3A_469 : i1 to i32
      %sign3A_471 = arith.subi %sign3A_467, %sign3A_470 : i32
      %sign3A_472 = arith.constant 0 : i32
      %sign3A_473 = arith.cmpi sgt, %jit3A_463, %sign3A_472 : i32
      %sign3A_474 = arith.extui %sign3A_473 : i1 to i32
      %sign3A_475 = arith.constant 0 : i32
      %sign3A_476 = arith.cmpi slt, %jit3A_463, %sign3A_475 : i32
      %sign3A_477 = arith.extui %sign3A_476 : i1 to i32
      %sign3A_478 = arith.subi %sign3A_474, %sign3A_477 : i32
      %ne3A_479 = arith.cmpi ne, %sign3A_471, %sign3A_478 : i32
      %rem3A_480 = arith.remsi %add3A_462, %jit3A_463 : i32
      %ne3A_481 = arith.constant 0 : i32
      %ne3A_482 = arith.cmpi ne, %rem3A_480, %ne3A_481 : i32
      %and3A_483 = arith.andi %ne3A_479, %ne3A_482 : i1
      %sub3A_484 = arith.constant 1 : i32
      %sub3A_485 = arith.subi %div3A_464, %sub3A_484 : i32
      %select_n3A_486 = arith.select %and3A_483, %sub3A_485, %div3A_464 : i32
      %mul3A_487 = arith.constant 4096 : i32
      %mul3A_488 = arith.muli %select_n3A_486, %mul3A_487 : i32
      %add3A_489 = arith.addi %mul3A_488, %mul3A_2 : i32
      %jit3A_490 = arith.constant 2 : i32
      %eq3A_491 = arith.constant 0 : i32
      %eq3A_492 = arith.cmpi eq, %jit3A_490, %eq3A_491 : i32
      %jit3A_493 = arith.constant 1 : i32
      %select_n3A_494 = arith.select %eq3A_492, %jit3A_493, %jit3A_490 : i32
      %rem3A_495 = arith.remsi %add3A_462, %select_n3A_494 : i32
      %ne3A_496 = arith.constant 0 : i32
      %ne3A_497 = arith.cmpi ne, %rem3A_495, %ne3A_496 : i32
      %lt3A_498 = arith.constant 0 : i32
      %lt3A_499 = arith.cmpi slt, %rem3A_495, %lt3A_498 : i32
      %lt3A_500 = arith.constant 0 : i32
      %lt3A_501 = arith.cmpi slt, %select_n3A_494, %lt3A_500 : i32
      %ne3A_502 = arith.xori %lt3A_499, %lt3A_501 : i1
      %and3A_503 = arith.andi %ne3A_502, %ne3A_497 : i1
      %add3A_504 = arith.addi %rem3A_495, %select_n3A_494 : i32
      %select_n3A_505 = arith.select %and3A_503, %add3A_504, %rem3A_495 : i32
      %mul3A_506 = arith.constant 64 : i32
      %mul3A_507 = arith.muli %select_n3A_505, %mul3A_506 : i32
      %add3A_508 = arith.addi %add3A_489, %mul3A_507 : i32
      %dma_wait3A_509 = arith.constant 0 : i32
      %dma_wait3A_510 = tpu.memref_slice %arg4[%add3A_508, %dma_wait3A_509] : memref<204800x128xf32, #tpu.memory_space<hbm>> -> memref<64x128xf32, #tpu.memory_space<hbm>>
      %dma_wait3A_511 = arith.constant 0 : i32
      %dma_wait3A_512 = tpu.memref_slice %arg4[%add3A_508, %dma_wait3A_511] : memref<204800x128xf32, #tpu.memory_space<hbm>> -> memref<64x128xf32, #tpu.memory_space<hbm>>
      tpu.wait_dma2 semaphore(%arg23 : memref<!tpu.dma_semaphore, #tpu.memory_space<semaphore_mem>>) src(%dma_wait3A_512 : memref<64x128xf32, #tpu.memory_space<hbm>>) dst(%arg13 : memref<64x128xf32, #tpu.memory_space<vmem>>)
      %dma_start3A_513 = arith.constant 0 : i32
      %dma_start3A_514 = tpu.memref_slice %arg4[%add3A_508, %dma_start3A_513] : memref<204800x128xf32, #tpu.memory_space<hbm>> -> memref<64x128xf32, #tpu.memory_space<hbm>>
      %dma_start3A_515 = arith.constant 0 : i32
      %dma_start3A_516 = tpu.memref_slice %arg4[%add3A_508, %dma_start3A_515] : memref<204800x128xf32, #tpu.memory_space<hbm>> -> memref<64x128xf32, #tpu.memory_space<hbm>>
      tpu.enqueue_dma source(%arg13 : memref<64x128xf32, #tpu.memory_space<vmem>>) target(%dma_start3A_516 : memref<64x128xf32, #tpu.memory_space<hbm>>) target_semaphore(%arg33 : memref<!tpu.dma_semaphore, #tpu.memory_space<semaphore_mem>>)
      %add3A_517 = arith.constant 8 : i32
      %add3A_518 = arith.addi %mul3A_79, %add3A_517 : i32
      %jit3A_519 = arith.constant 2 : i32
      %div3A_520 = arith.divsi %add3A_518, %jit3A_519 : i32
      %sign3A_521 = arith.constant 0 : i32
      %sign3A_522 = arith.cmpi sgt, %add3A_518, %sign3A_521 : i32
      %sign3A_523 = arith.extui %sign3A_522 : i1 to i32
      %sign3A_524 = arith.constant 0 : i32
      %sign3A_525 = arith.cmpi slt, %add3A_518, %sign3A_524 : i32
      %sign3A_526 = arith.extui %sign3A_525 : i1 to i32
      %sign3A_527 = arith.subi %sign3A_523, %sign3A_526 : i32
      %sign3A_528 = arith.constant 0 : i32
      %sign3A_529 = arith.cmpi sgt, %jit3A_519, %sign3A_528 : i32
      %sign3A_530 = arith.extui %sign3A_529 : i1 to i32
      %sign3A_531 = arith.constant 0 : i32
      %sign3A_532 = arith.cmpi slt, %jit3A_519, %sign3A_531 : i32
      %sign3A_533 = arith.extui %sign3A_532 : i1 to i32
      %sign3A_534 = arith.subi %sign3A_530, %sign3A_533 : i32
      %ne3A_535 = arith.cmpi ne, %sign3A_527, %sign3A_534 : i32
      %rem3A_536 = arith.remsi %add3A_518, %jit3A_519 : i32
      %ne3A_537 = arith.constant 0 : i32
      %ne3A_538 = arith.cmpi ne, %rem3A_536, %ne3A_537 : i32
      %and3A_539 = arith.andi %ne3A_535, %ne3A_538 : i1
      %sub3A_540 = arith.constant 1 : i32
      %sub3A_541 = arith.subi %div3A_520, %sub3A_540 : i32
      %select_n3A_542 = arith.select %and3A_539, %sub3A_541, %div3A_520 : i32
      %mul3A_543 = arith.constant 4096 : i32
      %mul3A_544 = arith.muli %select_n3A_542, %mul3A_543 : i32
      %add3A_545 = arith.addi %mul3A_544, %mul3A_2 : i32
      %jit3A_546 = arith.constant 2 : i32
      %eq3A_547 = arith.constant 0 : i32
      %eq3A_548 = arith.cmpi eq, %jit3A_546, %eq3A_547 : i32
      %jit3A_549 = arith.constant 1 : i32
      %select_n3A_550 = arith.select %eq3A_548, %jit3A_549, %jit3A_546 : i32
      %rem3A_551 = arith.remsi %add3A_518, %select_n3A_550 : i32
      %ne3A_552 = arith.constant 0 : i32
      %ne3A_553 = arith.cmpi ne, %rem3A_551, %ne3A_552 : i32
      %lt3A_554 = arith.constant 0 : i32
      %lt3A_555 = arith.cmpi slt, %rem3A_551, %lt3A_554 : i32
      %lt3A_556 = arith.constant 0 : i32
      %lt3A_557 = arith.cmpi slt, %select_n3A_550, %lt3A_556 : i32
      %ne3A_558 = arith.xori %lt3A_555, %lt3A_557 : i1
      %and3A_559 = arith.andi %ne3A_558, %ne3A_553 : i1
      %add3A_560 = arith.addi %rem3A_551, %select_n3A_550 : i32
      %select_n3A_561 = arith.select %and3A_559, %add3A_560, %rem3A_551 : i32
      %mul3A_562 = arith.constant 64 : i32
      %mul3A_563 = arith.muli %select_n3A_561, %mul3A_562 : i32
      %add3A_564 = arith.addi %add3A_545, %mul3A_563 : i32
      %dma_wait3A_565 = arith.constant 0 : i32
      %dma_wait3A_566 = tpu.memref_slice %arg4[%add3A_564, %dma_wait3A_565] : memref<204800x128xf32, #tpu.memory_space<hbm>> -> memref<64x128xf32, #tpu.memory_space<hbm>>
      %dma_wait3A_567 = arith.constant 0 : i32
      %dma_wait3A_568 = tpu.memref_slice %arg4[%add3A_564, %dma_wait3A_567] : memref<204800x128xf32, #tpu.memory_space<hbm>> -> memref<64x128xf32, #tpu.memory_space<hbm>>
      tpu.wait_dma2 semaphore(%arg24 : memref<!tpu.dma_semaphore, #tpu.memory_space<semaphore_mem>>) src(%dma_wait3A_568 : memref<64x128xf32, #tpu.memory_space<hbm>>) dst(%arg14 : memref<64x128xf32, #tpu.memory_space<vmem>>)
      %dma_start3A_569 = arith.constant 0 : i32
      %dma_start3A_570 = tpu.memref_slice %arg4[%add3A_564, %dma_start3A_569] : memref<204800x128xf32, #tpu.memory_space<hbm>> -> memref<64x128xf32, #tpu.memory_space<hbm>>
      %dma_start3A_571 = arith.constant 0 : i32
      %dma_start3A_572 = tpu.memref_slice %arg4[%add3A_564, %dma_start3A_571] : memref<204800x128xf32, #tpu.memory_space<hbm>> -> memref<64x128xf32, #tpu.memory_space<hbm>>
      tpu.enqueue_dma source(%arg14 : memref<64x128xf32, #tpu.memory_space<vmem>>) target(%dma_start3A_572 : memref<64x128xf32, #tpu.memory_space<hbm>>) target_semaphore(%arg34 : memref<!tpu.dma_semaphore, #tpu.memory_space<semaphore_mem>>)
      %add3A_573 = arith.constant 9 : i32
      %add3A_574 = arith.addi %mul3A_79, %add3A_573 : i32
      %jit3A_575 = arith.constant 2 : i32
      %div3A_576 = arith.divsi %add3A_574, %jit3A_575 : i32
      %sign3A_577 = arith.constant 0 : i32
      %sign3A_578 = arith.cmpi sgt, %add3A_574, %sign3A_577 : i32
      %sign3A_579 = arith.extui %sign3A_578 : i1 to i32
      %sign3A_580 = arith.constant 0 : i32
      %sign3A_581 = arith.cmpi slt, %add3A_574, %sign3A_580 : i32
      %sign3A_582 = arith.extui %sign3A_581 : i1 to i32
      %sign3A_583 = arith.subi %sign3A_579, %sign3A_582 : i32
      %sign3A_584 = arith.constant 0 : i32
      %sign3A_585 = arith.cmpi sgt, %jit3A_575, %sign3A_584 : i32
      %sign3A_586 = arith.extui %sign3A_585 : i1 to i32
      %sign3A_587 = arith.constant 0 : i32
      %sign3A_588 = arith.cmpi slt, %jit3A_575, %sign3A_587 : i32
      %sign3A_589 = arith.extui %sign3A_588 : i1 to i32
      %sign3A_590 = arith.subi %sign3A_586, %sign3A_589 : i32
      %ne3A_591 = arith.cmpi ne, %sign3A_583, %sign3A_590 : i32
      %rem3A_592 = arith.remsi %add3A_574, %jit3A_575 : i32
      %ne3A_593 = arith.constant 0 : i32
      %ne3A_594 = arith.cmpi ne, %rem3A_592, %ne3A_593 : i32
      %and3A_595 = arith.andi %ne3A_591, %ne3A_594 : i1
      %sub3A_596 = arith.constant 1 : i32
      %sub3A_597 = arith.subi %div3A_576, %sub3A_596 : i32
      %select_n3A_598 = arith.select %and3A_595, %sub3A_597, %div3A_576 : i32
      %mul3A_599 = arith.constant 4096 : i32
      %mul3A_600 = arith.muli %select_n3A_598, %mul3A_599 : i32
      %add3A_601 = arith.addi %mul3A_600, %mul3A_2 : i32
      %jit3A_602 = arith.constant 2 : i32
      %eq3A_603 = arith.constant 0 : i32
      %eq3A_604 = arith.cmpi eq, %jit3A_602, %eq3A_603 : i32
      %jit3A_605 = arith.constant 1 : i32
      %select_n3A_606 = arith.select %eq3A_604, %jit3A_605, %jit3A_602 : i32
      %rem3A_607 = arith.remsi %add3A_574, %select_n3A_606 : i32
      %ne3A_608 = arith.constant 0 : i32
      %ne3A_609 = arith.cmpi ne, %rem3A_607, %ne3A_608 : i32
      %lt3A_610 = arith.constant 0 : i32
      %lt3A_611 = arith.cmpi slt, %rem3A_607, %lt3A_610 : i32
      %lt3A_612 = arith.constant 0 : i32
      %lt3A_613 = arith.cmpi slt, %select_n3A_606, %lt3A_612 : i32
      %ne3A_614 = arith.xori %lt3A_611, %lt3A_613 : i1
      %and3A_615 = arith.andi %ne3A_614, %ne3A_609 : i1
      %add3A_616 = arith.addi %rem3A_607, %select_n3A_606 : i32
      %select_n3A_617 = arith.select %and3A_615, %add3A_616, %rem3A_607 : i32
      %mul3A_618 = arith.constant 64 : i32
      %mul3A_619 = arith.muli %select_n3A_617, %mul3A_618 : i32
      %add3A_620 = arith.addi %add3A_601, %mul3A_619 : i32
      %dma_wait3A_621 = arith.constant 0 : i32
      %dma_wait3A_622 = tpu.memref_slice %arg4[%add3A_620, %dma_wait3A_621] : memref<204800x128xf32, #tpu.memory_space<hbm>> -> memref<64x128xf32, #tpu.memory_space<hbm>>
      %dma_wait3A_623 = arith.constant 0 : i32
      %dma_wait3A_624 = tpu.memref_slice %arg4[%add3A_620, %dma_wait3A_623] : memref<204800x128xf32, #tpu.memory_space<hbm>> -> memref<64x128xf32, #tpu.memory_space<hbm>>
      tpu.wait_dma2 semaphore(%arg25 : memref<!tpu.dma_semaphore, #tpu.memory_space<semaphore_mem>>) src(%dma_wait3A_624 : memref<64x128xf32, #tpu.memory_space<hbm>>) dst(%arg15 : memref<64x128xf32, #tpu.memory_space<vmem>>)
      %dma_start3A_625 = arith.constant 0 : i32
      %dma_start3A_626 = tpu.memref_slice %arg4[%add3A_620, %dma_start3A_625] : memref<204800x128xf32, #tpu.memory_space<hbm>> -> memref<64x128xf32, #tpu.memory_space<hbm>>
      %dma_start3A_627 = arith.constant 0 : i32
      %dma_start3A_628 = tpu.memref_slice %arg4[%add3A_620, %dma_start3A_627] : memref<204800x128xf32, #tpu.memory_space<hbm>> -> memref<64x128xf32, #tpu.memory_space<hbm>>
      tpu.enqueue_dma source(%arg15 : memref<64x128xf32, #tpu.memory_space<vmem>>) target(%dma_start3A_628 : memref<64x128xf32, #tpu.memory_space<hbm>>) target_semaphore(%arg35 : memref<!tpu.dma_semaphore, #tpu.memory_space<semaphore_mem>>)
      %add3A_629 = arith.constant 0 : i32
      %add3A_630 = arith.addi %mul3A_79, %add3A_629 : i32
      %jit3A_631 = arith.constant 2 : i32
      %div3A_632 = arith.divsi %add3A_630, %jit3A_631 : i32
      %sign3A_633 = arith.constant 0 : i32
      %sign3A_634 = arith.cmpi sgt, %add3A_630, %sign3A_633 : i32
      %sign3A_635 = arith.extui %sign3A_634 : i1 to i32
      %sign3A_636 = arith.constant 0 : i32
      %sign3A_637 = arith.cmpi slt, %add3A_630, %sign3A_636 : i32
      %sign3A_638 = arith.extui %sign3A_637 : i1 to i32
      %sign3A_639 = arith.subi %sign3A_635, %sign3A_638 : i32
      %sign3A_640 = arith.constant 0 : i32
      %sign3A_641 = arith.cmpi sgt, %jit3A_631, %sign3A_640 : i32
      %sign3A_642 = arith.extui %sign3A_641 : i1 to i32
      %sign3A_643 = arith.constant 0 : i32
      %sign3A_644 = arith.cmpi slt, %jit3A_631, %sign3A_643 : i32
      %sign3A_645 = arith.extui %sign3A_644 : i1 to i32
      %sign3A_646 = arith.subi %sign3A_642, %sign3A_645 : i32
      %ne3A_647 = arith.cmpi ne, %sign3A_639, %sign3A_646 : i32
      %rem3A_648 = arith.remsi %add3A_630, %jit3A_631 : i32
      %ne3A_649 = arith.constant 0 : i32
      %ne3A_650 = arith.cmpi ne, %rem3A_648, %ne3A_649 : i32
      %and3A_651 = arith.andi %ne3A_647, %ne3A_650 : i1
      %sub3A_652 = arith.constant 1 : i32
      %sub3A_653 = arith.subi %div3A_632, %sub3A_652 : i32
      %select_n3A_654 = arith.select %and3A_651, %sub3A_653, %div3A_632 : i32
      %mul3A_655 = arith.constant 4096 : i32
      %mul3A_656 = arith.muli %select_n3A_654, %mul3A_655 : i32
      %add3A_657 = arith.addi %mul3A_656, %mul3A_2 : i32
      %jit3A_658 = arith.constant 2 : i32
      %eq3A_659 = arith.constant 0 : i32
      %eq3A_660 = arith.cmpi eq, %jit3A_658, %eq3A_659 : i32
      %jit3A_661 = arith.constant 1 : i32
      %select_n3A_662 = arith.select %eq3A_660, %jit3A_661, %jit3A_658 : i32
      %rem3A_663 = arith.remsi %add3A_630, %select_n3A_662 : i32
      %ne3A_664 = arith.constant 0 : i32
      %ne3A_665 = arith.cmpi ne, %rem3A_663, %ne3A_664 : i32
      %lt3A_666 = arith.constant 0 : i32
      %lt3A_667 = arith.cmpi slt, %rem3A_663, %lt3A_666 : i32
      %lt3A_668 = arith.constant 0 : i32
      %lt3A_669 = arith.cmpi slt, %select_n3A_662, %lt3A_668 : i32
      %ne3A_670 = arith.xori %lt3A_667, %lt3A_669 : i1
      %and3A_671 = arith.andi %ne3A_670, %ne3A_665 : i1
      %add3A_672 = arith.addi %rem3A_663, %select_n3A_662 : i32
      %select_n3A_673 = arith.select %and3A_671, %add3A_672, %rem3A_663 : i32
      %mul3A_674 = arith.constant 64 : i32
      %mul3A_675 = arith.muli %select_n3A_673, %mul3A_674 : i32
      %add3A_676 = arith.addi %add3A_657, %mul3A_675 : i32
      %dma_wait3A_677 = arith.constant 0 : i32
      %dma_wait3A_678 = tpu.memref_slice %arg4[%add3A_676, %dma_wait3A_677] : memref<204800x128xf32, #tpu.memory_space<hbm>> -> memref<64x128xf32, #tpu.memory_space<hbm>>
      %dma_wait3A_679 = arith.constant 0 : i32
      %dma_wait3A_680 = tpu.memref_slice %arg4[%add3A_676, %dma_wait3A_679] : memref<204800x128xf32, #tpu.memory_space<hbm>> -> memref<64x128xf32, #tpu.memory_space<hbm>>
      tpu.wait_dma2 semaphore(%arg26 : memref<!tpu.dma_semaphore, #tpu.memory_space<semaphore_mem>>) src(%arg6 : memref<64x128xf32, #tpu.memory_space<vmem>>) dst(%dma_wait3A_680 : memref<64x128xf32, #tpu.memory_space<hbm>>)
      %add3A_681 = arith.constant 0 : i32
      %add3A_682 = arith.addi %mul3A_79, %add3A_681 : i32
      %add3A_683 = arith.constant 10 : i32
      %add3A_684 = arith.addi %add3A_682, %add3A_683 : i32
      %lt3A_685 = arith.constant 100 : i32
      %lt3A_686 = arith.cmpi slt, %add3A_684, %lt3A_685 : i32
      %convert_element_type3A = arith.extui %lt3A_686 : i1 to i32
      %cond3A = arith.constant 0 : i32
      %cond3A_687 = arith.cmpi ne, %convert_element_type3A, %cond3A : i32
      scf.if %cond3A_687 {
        %add3A_1237 = arith.constant 0 : i32
        %add3A_1238 = arith.addi %mul3A_79, %add3A_1237 : i32
        %add3A_1239 = arith.constant 10 : i32
        %add3A_1240 = arith.addi %add3A_1238, %add3A_1239 : i32
        %jit3A_1241 = arith.constant 2 : i32
        %div3A_1242 = arith.divsi %add3A_1240, %jit3A_1241 : i32
        %sign3A_1243 = arith.constant 0 : i32
        %sign3A_1244 = arith.cmpi sgt, %add3A_1240, %sign3A_1243 : i32
        %sign3A_1245 = arith.extui %sign3A_1244 : i1 to i32
        %sign3A_1246 = arith.constant 0 : i32
        %sign3A_1247 = arith.cmpi slt, %add3A_1240, %sign3A_1246 : i32
        %sign3A_1248 = arith.extui %sign3A_1247 : i1 to i32
        %sign3A_1249 = arith.subi %sign3A_1245, %sign3A_1248 : i32
        %sign3A_1250 = arith.constant 0 : i32
        %sign3A_1251 = arith.cmpi sgt, %jit3A_1241, %sign3A_1250 : i32
        %sign3A_1252 = arith.extui %sign3A_1251 : i1 to i32
        %sign3A_1253 = arith.constant 0 : i32
        %sign3A_1254 = arith.cmpi slt, %jit3A_1241, %sign3A_1253 : i32
        %sign3A_1255 = arith.extui %sign3A_1254 : i1 to i32
        %sign3A_1256 = arith.subi %sign3A_1252, %sign3A_1255 : i32
        %ne3A_1257 = arith.cmpi ne, %sign3A_1249, %sign3A_1256 : i32
        %rem3A_1258 = arith.remsi %add3A_1240, %jit3A_1241 : i32
        %ne3A_1259 = arith.constant 0 : i32
        %ne3A_1260 = arith.cmpi ne, %rem3A_1258, %ne3A_1259 : i32
        %and3A_1261 = arith.andi %ne3A_1257, %ne3A_1260 : i1
        %sub3A_1262 = arith.constant 1 : i32
        %sub3A_1263 = arith.subi %div3A_1242, %sub3A_1262 : i32
        %select_n3A_1264 = arith.select %and3A_1261, %sub3A_1263, %div3A_1242 : i32
        %jit3A_1265 = arith.constant 2 : i32
        %eq3A_1266 = arith.constant 0 : i32
        %eq3A_1267 = arith.cmpi eq, %jit3A_1265, %eq3A_1266 : i32
        %jit3A_1268 = arith.constant 1 : i32
        %select_n3A_1269 = arith.select %eq3A_1267, %jit3A_1268, %jit3A_1265 : i32
        %rem3A_1270 = arith.remsi %add3A_1240, %select_n3A_1269 : i32
        %ne3A_1271 = arith.constant 0 : i32
        %ne3A_1272 = arith.cmpi ne, %rem3A_1270, %ne3A_1271 : i32
        %lt3A_1273 = arith.constant 0 : i32
        %lt3A_1274 = arith.cmpi slt, %rem3A_1270, %lt3A_1273 : i32
        %lt3A_1275 = arith.constant 0 : i32
        %lt3A_1276 = arith.cmpi slt, %select_n3A_1269, %lt3A_1275 : i32
        %ne3A_1277 = arith.xori %lt3A_1274, %lt3A_1276 : i1
        %and3A_1278 = arith.andi %ne3A_1277, %ne3A_1272 : i1
        %add3A_1279 = arith.addi %rem3A_1270, %select_n3A_1269 : i32
        %select_n3A_1280 = arith.select %and3A_1278, %add3A_1279, %rem3A_1270 : i32
        %mul3A_1281 = arith.constant 64 : i32
        %mul3A_1282 = arith.muli %select_n3A_1280, %mul3A_1281 : i32
        %dma_start3A_1283 = tpu.memref_slice %arg5[%select_n3A_1264, %mul3A_1282] : memref<50x128xi32, #tpu.memory_space<vmem>> -> memref<1x64xi32, #tpu.memory_space<vmem>>
        %dma_start3A_1284 = tpu.memref_squeeze %dma_start3A_1283 : memref<1x64xi32, #tpu.memory_space<vmem>> -> memref<64xi32, #tpu.memory_space<vmem>>
        %dma_start3A_1285 = arith.constant 0 : i32
        %dma_start3A_1286 = arith.constant 0 : i32
        %dma_start3A_1287 = tpu.memref_slice %arg3[%dma_start3A_1285, %dma_start3A_1286] : memref<100000x128xf32, #tpu.memory_space<hbm>> -> memref<100000x128xf32, #tpu.memory_space<hbm>>
        tpu.enqueue_indirect_dma source(%dma_start3A_1287 : memref<100000x128xf32, #tpu.memory_space<hbm>>) target(%arg6 : memref<64x128xf32, #tpu.memory_space<vmem>>) offsets(%dma_start3A_1284 : memref<64xi32, #tpu.memory_space<vmem>>) semaphore(%arg16 : memref<!tpu.dma_semaphore, #tpu.memory_space<semaphore_mem>>)
      } else {
      }
      %add3A_688 = arith.constant 1 : i32
      %add3A_689 = arith.addi %mul3A_79, %add3A_688 : i32
      %jit3A_690 = arith.constant 2 : i32
      %div3A_691 = arith.divsi %add3A_689, %jit3A_690 : i32
      %sign3A_692 = arith.constant 0 : i32
      %sign3A_693 = arith.cmpi sgt, %add3A_689, %sign3A_692 : i32
      %sign3A_694 = arith.extui %sign3A_693 : i1 to i32
      %sign3A_695 = arith.constant 0 : i32
      %sign3A_696 = arith.cmpi slt, %add3A_689, %sign3A_695 : i32
      %sign3A_697 = arith.extui %sign3A_696 : i1 to i32
      %sign3A_698 = arith.subi %sign3A_694, %sign3A_697 : i32
      %sign3A_699 = arith.constant 0 : i32
      %sign3A_700 = arith.cmpi sgt, %jit3A_690, %sign3A_699 : i32
      %sign3A_701 = arith.extui %sign3A_700 : i1 to i32
      %sign3A_702 = arith.constant 0 : i32
      %sign3A_703 = arith.cmpi slt, %jit3A_690, %sign3A_702 : i32
      %sign3A_704 = arith.extui %sign3A_703 : i1 to i32
      %sign3A_705 = arith.subi %sign3A_701, %sign3A_704 : i32
      %ne3A_706 = arith.cmpi ne, %sign3A_698, %sign3A_705 : i32
      %rem3A_707 = arith.remsi %add3A_689, %jit3A_690 : i32
      %ne3A_708 = arith.constant 0 : i32
      %ne3A_709 = arith.cmpi ne, %rem3A_707, %ne3A_708 : i32
      %and3A_710 = arith.andi %ne3A_706, %ne3A_709 : i1
      %sub3A_711 = arith.constant 1 : i32
      %sub3A_712 = arith.subi %div3A_691, %sub3A_711 : i32
      %select_n3A_713 = arith.select %and3A_710, %sub3A_712, %div3A_691 : i32
      %mul3A_714 = arith.constant 4096 : i32
      %mul3A_715 = arith.muli %select_n3A_713, %mul3A_714 : i32
      %add3A_716 = arith.addi %mul3A_715, %mul3A_2 : i32
      %jit3A_717 = arith.constant 2 : i32
      %eq3A_718 = arith.constant 0 : i32
      %eq3A_719 = arith.cmpi eq, %jit3A_717, %eq3A_718 : i32
      %jit3A_720 = arith.constant 1 : i32
      %select_n3A_721 = arith.select %eq3A_719, %jit3A_720, %jit3A_717 : i32
      %rem3A_722 = arith.remsi %add3A_689, %select_n3A_721 : i32
      %ne3A_723 = arith.constant 0 : i32
      %ne3A_724 = arith.cmpi ne, %rem3A_722, %ne3A_723 : i32
      %lt3A_725 = arith.constant 0 : i32
      %lt3A_726 = arith.cmpi slt, %rem3A_722, %lt3A_725 : i32
      %lt3A_727 = arith.constant 0 : i32
      %lt3A_728 = arith.cmpi slt, %select_n3A_721, %lt3A_727 : i32
      %ne3A_729 = arith.xori %lt3A_726, %lt3A_728 : i1
      %and3A_730 = arith.andi %ne3A_729, %ne3A_724 : i1
      %add3A_731 = arith.addi %rem3A_722, %select_n3A_721 : i32
      %select_n3A_732 = arith.select %and3A_730, %add3A_731, %rem3A_722 : i32
      %mul3A_733 = arith.constant 64 : i32
      %mul3A_734 = arith.muli %select_n3A_732, %mul3A_733 : i32
      %add3A_735 = arith.addi %add3A_716, %mul3A_734 : i32
      %dma_wait3A_736 = arith.constant 0 : i32
      %dma_wait3A_737 = tpu.memref_slice %arg4[%add3A_735, %dma_wait3A_736] : memref<204800x128xf32, #tpu.memory_space<hbm>> -> memref<64x128xf32, #tpu.memory_space<hbm>>
      %dma_wait3A_738 = arith.constant 0 : i32
      %dma_wait3A_739 = tpu.memref_slice %arg4[%add3A_735, %dma_wait3A_738] : memref<204800x128xf32, #tpu.memory_space<hbm>> -> memref<64x128xf32, #tpu.memory_space<hbm>>
      tpu.wait_dma2 semaphore(%arg27 : memref<!tpu.dma_semaphore, #tpu.memory_space<semaphore_mem>>) src(%arg7 : memref<64x128xf32, #tpu.memory_space<vmem>>) dst(%dma_wait3A_739 : memref<64x128xf32, #tpu.memory_space<hbm>>)
      %add3A_740 = arith.constant 1 : i32
      %add3A_741 = arith.addi %mul3A_79, %add3A_740 : i32
      %add3A_742 = arith.constant 10 : i32
      %add3A_743 = arith.addi %add3A_741, %add3A_742 : i32
      %lt3A_744 = arith.constant 100 : i32
      %lt3A_745 = arith.cmpi slt, %add3A_743, %lt3A_744 : i32
      %convert_element_type3A_746 = arith.extui %lt3A_745 : i1 to i32
      %cond3A_747 = arith.constant 0 : i32
      %cond3A_748 = arith.cmpi ne, %convert_element_type3A_746, %cond3A_747 : i32
      scf.if %cond3A_748 {
        %add3A_1237 = arith.constant 1 : i32
        %add3A_1238 = arith.addi %mul3A_79, %add3A_1237 : i32
        %add3A_1239 = arith.constant 10 : i32
        %add3A_1240 = arith.addi %add3A_1238, %add3A_1239 : i32
        %jit3A_1241 = arith.constant 2 : i32
        %div3A_1242 = arith.divsi %add3A_1240, %jit3A_1241 : i32
        %sign3A_1243 = arith.constant 0 : i32
        %sign3A_1244 = arith.cmpi sgt, %add3A_1240, %sign3A_1243 : i32
        %sign3A_1245 = arith.extui %sign3A_1244 : i1 to i32
        %sign3A_1246 = arith.constant 0 : i32
        %sign3A_1247 = arith.cmpi slt, %add3A_1240, %sign3A_1246 : i32
        %sign3A_1248 = arith.extui %sign3A_1247 : i1 to i32
        %sign3A_1249 = arith.subi %sign3A_1245, %sign3A_1248 : i32
        %sign3A_1250 = arith.constant 0 : i32
        %sign3A_1251 = arith.cmpi sgt, %jit3A_1241, %sign3A_1250 : i32
        %sign3A_1252 = arith.extui %sign3A_1251 : i1 to i32
        %sign3A_1253 = arith.constant 0 : i32
        %sign3A_1254 = arith.cmpi slt, %jit3A_1241, %sign3A_1253 : i32
        %sign3A_1255 = arith.extui %sign3A_1254 : i1 to i32
        %sign3A_1256 = arith.subi %sign3A_1252, %sign3A_1255 : i32
        %ne3A_1257 = arith.cmpi ne, %sign3A_1249, %sign3A_1256 : i32
        %rem3A_1258 = arith.remsi %add3A_1240, %jit3A_1241 : i32
        %ne3A_1259 = arith.constant 0 : i32
        %ne3A_1260 = arith.cmpi ne, %rem3A_1258, %ne3A_1259 : i32
        %and3A_1261 = arith.andi %ne3A_1257, %ne3A_1260 : i1
        %sub3A_1262 = arith.constant 1 : i32
        %sub3A_1263 = arith.subi %div3A_1242, %sub3A_1262 : i32
        %select_n3A_1264 = arith.select %and3A_1261, %sub3A_1263, %div3A_1242 : i32
        %jit3A_1265 = arith.constant 2 : i32
        %eq3A_1266 = arith.constant 0 : i32
        %eq3A_1267 = arith.cmpi eq, %jit3A_1265, %eq3A_1266 : i32
        %jit3A_1268 = arith.constant 1 : i32
        %select_n3A_1269 = arith.select %eq3A_1267, %jit3A_1268, %jit3A_1265 : i32
        %rem3A_1270 = arith.remsi %add3A_1240, %select_n3A_1269 : i32
        %ne3A_1271 = arith.constant 0 : i32
        %ne3A_1272 = arith.cmpi ne, %rem3A_1270, %ne3A_1271 : i32
        %lt3A_1273 = arith.constant 0 : i32
        %lt3A_1274 = arith.cmpi slt, %rem3A_1270, %lt3A_1273 : i32
        %lt3A_1275 = arith.constant 0 : i32
        %lt3A_1276 = arith.cmpi slt, %select_n3A_1269, %lt3A_1275 : i32
        %ne3A_1277 = arith.xori %lt3A_1274, %lt3A_1276 : i1
        %and3A_1278 = arith.andi %ne3A_1277, %ne3A_1272 : i1
        %add3A_1279 = arith.addi %rem3A_1270, %select_n3A_1269 : i32
        %select_n3A_1280 = arith.select %and3A_1278, %add3A_1279, %rem3A_1270 : i32
        %mul3A_1281 = arith.constant 64 : i32
        %mul3A_1282 = arith.muli %select_n3A_1280, %mul3A_1281 : i32
        %dma_start3A_1283 = tpu.memref_slice %arg5[%select_n3A_1264, %mul3A_1282] : memref<50x128xi32, #tpu.memory_space<vmem>> -> memref<1x64xi32, #tpu.memory_space<vmem>>
        %dma_start3A_1284 = tpu.memref_squeeze %dma_start3A_1283 : memref<1x64xi32, #tpu.memory_space<vmem>> -> memref<64xi32, #tpu.memory_space<vmem>>
        %dma_start3A_1285 = arith.constant 0 : i32
        %dma_start3A_1286 = arith.constant 0 : i32
        %dma_start3A_1287 = tpu.memref_slice %arg3[%dma_start3A_1285, %dma_start3A_1286] : memref<100000x128xf32, #tpu.memory_space<hbm>> -> memref<100000x128xf32, #tpu.memory_space<hbm>>
        tpu.enqueue_indirect_dma source(%dma_start3A_1287 : memref<100000x128xf32, #tpu.memory_space<hbm>>) target(%arg7 : memref<64x128xf32, #tpu.memory_space<vmem>>) offsets(%dma_start3A_1284 : memref<64xi32, #tpu.memory_space<vmem>>) semaphore(%arg17 : memref<!tpu.dma_semaphore, #tpu.memory_space<semaphore_mem>>)
      } else {
      }
      %add3A_749 = arith.constant 2 : i32
      %add3A_750 = arith.addi %mul3A_79, %add3A_749 : i32
      %jit3A_751 = arith.constant 2 : i32
      %div3A_752 = arith.divsi %add3A_750, %jit3A_751 : i32
      %sign3A_753 = arith.constant 0 : i32
      %sign3A_754 = arith.cmpi sgt, %add3A_750, %sign3A_753 : i32
      %sign3A_755 = arith.extui %sign3A_754 : i1 to i32
      %sign3A_756 = arith.constant 0 : i32
      %sign3A_757 = arith.cmpi slt, %add3A_750, %sign3A_756 : i32
      %sign3A_758 = arith.extui %sign3A_757 : i1 to i32
      %sign3A_759 = arith.subi %sign3A_755, %sign3A_758 : i32
      %sign3A_760 = arith.constant 0 : i32
      %sign3A_761 = arith.cmpi sgt, %jit3A_751, %sign3A_760 : i32
      %sign3A_762 = arith.extui %sign3A_761 : i1 to i32
      %sign3A_763 = arith.constant 0 : i32
      %sign3A_764 = arith.cmpi slt, %jit3A_751, %sign3A_763 : i32
      %sign3A_765 = arith.extui %sign3A_764 : i1 to i32
      %sign3A_766 = arith.subi %sign3A_762, %sign3A_765 : i32
      %ne3A_767 = arith.cmpi ne, %sign3A_759, %sign3A_766 : i32
      %rem3A_768 = arith.remsi %add3A_750, %jit3A_751 : i32
      %ne3A_769 = arith.constant 0 : i32
      %ne3A_770 = arith.cmpi ne, %rem3A_768, %ne3A_769 : i32
      %and3A_771 = arith.andi %ne3A_767, %ne3A_770 : i1
      %sub3A_772 = arith.constant 1 : i32
      %sub3A_773 = arith.subi %div3A_752, %sub3A_772 : i32
      %select_n3A_774 = arith.select %and3A_771, %sub3A_773, %div3A_752 : i32
      %mul3A_775 = arith.constant 4096 : i32
      %mul3A_776 = arith.muli %select_n3A_774, %mul3A_775 : i32
      %add3A_777 = arith.addi %mul3A_776, %mul3A_2 : i32
      %jit3A_778 = arith.constant 2 : i32
      %eq3A_779 = arith.constant 0 : i32
      %eq3A_780 = arith.cmpi eq, %jit3A_778, %eq3A_779 : i32
      %jit3A_781 = arith.constant 1 : i32
      %select_n3A_782 = arith.select %eq3A_780, %jit3A_781, %jit3A_778 : i32
      %rem3A_783 = arith.remsi %add3A_750, %select_n3A_782 : i32
      %ne3A_784 = arith.constant 0 : i32
      %ne3A_785 = arith.cmpi ne, %rem3A_783, %ne3A_784 : i32
      %lt3A_786 = arith.constant 0 : i32
      %lt3A_787 = arith.cmpi slt, %rem3A_783, %lt3A_786 : i32
      %lt3A_788 = arith.constant 0 : i32
      %lt3A_789 = arith.cmpi slt, %select_n3A_782, %lt3A_788 : i32
      %ne3A_790 = arith.xori %lt3A_787, %lt3A_789 : i1
      %and3A_791 = arith.andi %ne3A_790, %ne3A_785 : i1
      %add3A_792 = arith.addi %rem3A_783, %select_n3A_782 : i32
      %select_n3A_793 = arith.select %and3A_791, %add3A_792, %rem3A_783 : i32
      %mul3A_794 = arith.constant 64 : i32
      %mul3A_795 = arith.muli %select_n3A_793, %mul3A_794 : i32
      %add3A_796 = arith.addi %add3A_777, %mul3A_795 : i32
      %dma_wait3A_797 = arith.constant 0 : i32
      %dma_wait3A_798 = tpu.memref_slice %arg4[%add3A_796, %dma_wait3A_797] : memref<204800x128xf32, #tpu.memory_space<hbm>> -> memref<64x128xf32, #tpu.memory_space<hbm>>
      %dma_wait3A_799 = arith.constant 0 : i32
      %dma_wait3A_800 = tpu.memref_slice %arg4[%add3A_796, %dma_wait3A_799] : memref<204800x128xf32, #tpu.memory_space<hbm>> -> memref<64x128xf32, #tpu.memory_space<hbm>>
      tpu.wait_dma2 semaphore(%arg28 : memref<!tpu.dma_semaphore, #tpu.memory_space<semaphore_mem>>) src(%arg8 : memref<64x128xf32, #tpu.memory_space<vmem>>) dst(%dma_wait3A_800 : memref<64x128xf32, #tpu.memory_space<hbm>>)
      %add3A_801 = arith.constant 2 : i32
      %add3A_802 = arith.addi %mul3A_79, %add3A_801 : i32
      %add3A_803 = arith.constant 10 : i32
      %add3A_804 = arith.addi %add3A_802, %add3A_803 : i32
      %lt3A_805 = arith.constant 100 : i32
      %lt3A_806 = arith.cmpi slt, %add3A_804, %lt3A_805 : i32
      %convert_element_type3A_807 = arith.extui %lt3A_806 : i1 to i32
      %cond3A_808 = arith.constant 0 : i32
      %cond3A_809 = arith.cmpi ne, %convert_element_type3A_807, %cond3A_808 : i32
      scf.if %cond3A_809 {
        %add3A_1237 = arith.constant 2 : i32
        %add3A_1238 = arith.addi %mul3A_79, %add3A_1237 : i32
        %add3A_1239 = arith.constant 10 : i32
        %add3A_1240 = arith.addi %add3A_1238, %add3A_1239 : i32
        %jit3A_1241 = arith.constant 2 : i32
        %div3A_1242 = arith.divsi %add3A_1240, %jit3A_1241 : i32
        %sign3A_1243 = arith.constant 0 : i32
        %sign3A_1244 = arith.cmpi sgt, %add3A_1240, %sign3A_1243 : i32
        %sign3A_1245 = arith.extui %sign3A_1244 : i1 to i32
        %sign3A_1246 = arith.constant 0 : i32
        %sign3A_1247 = arith.cmpi slt, %add3A_1240, %sign3A_1246 : i32
        %sign3A_1248 = arith.extui %sign3A_1247 : i1 to i32
        %sign3A_1249 = arith.subi %sign3A_1245, %sign3A_1248 : i32
        %sign3A_1250 = arith.constant 0 : i32
        %sign3A_1251 = arith.cmpi sgt, %jit3A_1241, %sign3A_1250 : i32
        %sign3A_1252 = arith.extui %sign3A_1251 : i1 to i32
        %sign3A_1253 = arith.constant 0 : i32
        %sign3A_1254 = arith.cmpi slt, %jit3A_1241, %sign3A_1253 : i32
        %sign3A_1255 = arith.extui %sign3A_1254 : i1 to i32
        %sign3A_1256 = arith.subi %sign3A_1252, %sign3A_1255 : i32
        %ne3A_1257 = arith.cmpi ne, %sign3A_1249, %sign3A_1256 : i32
        %rem3A_1258 = arith.remsi %add3A_1240, %jit3A_1241 : i32
        %ne3A_1259 = arith.constant 0 : i32
        %ne3A_1260 = arith.cmpi ne, %rem3A_1258, %ne3A_1259 : i32
        %and3A_1261 = arith.andi %ne3A_1257, %ne3A_1260 : i1
        %sub3A_1262 = arith.constant 1 : i32
        %sub3A_1263 = arith.subi %div3A_1242, %sub3A_1262 : i32
        %select_n3A_1264 = arith.select %and3A_1261, %sub3A_1263, %div3A_1242 : i32
        %jit3A_1265 = arith.constant 2 : i32
        %eq3A_1266 = arith.constant 0 : i32
        %eq3A_1267 = arith.cmpi eq, %jit3A_1265, %eq3A_1266 : i32
        %jit3A_1268 = arith.constant 1 : i32
        %select_n3A_1269 = arith.select %eq3A_1267, %jit3A_1268, %jit3A_1265 : i32
        %rem3A_1270 = arith.remsi %add3A_1240, %select_n3A_1269 : i32
        %ne3A_1271 = arith.constant 0 : i32
        %ne3A_1272 = arith.cmpi ne, %rem3A_1270, %ne3A_1271 : i32
        %lt3A_1273 = arith.constant 0 : i32
        %lt3A_1274 = arith.cmpi slt, %rem3A_1270, %lt3A_1273 : i32
        %lt3A_1275 = arith.constant 0 : i32
        %lt3A_1276 = arith.cmpi slt, %select_n3A_1269, %lt3A_1275 : i32
        %ne3A_1277 = arith.xori %lt3A_1274, %lt3A_1276 : i1
        %and3A_1278 = arith.andi %ne3A_1277, %ne3A_1272 : i1
        %add3A_1279 = arith.addi %rem3A_1270, %select_n3A_1269 : i32
        %select_n3A_1280 = arith.select %and3A_1278, %add3A_1279, %rem3A_1270 : i32
        %mul3A_1281 = arith.constant 64 : i32
        %mul3A_1282 = arith.muli %select_n3A_1280, %mul3A_1281 : i32
        %dma_start3A_1283 = tpu.memref_slice %arg5[%select_n3A_1264, %mul3A_1282] : memref<50x128xi32, #tpu.memory_space<vmem>> -> memref<1x64xi32, #tpu.memory_space<vmem>>
        %dma_start3A_1284 = tpu.memref_squeeze %dma_start3A_1283 : memref<1x64xi32, #tpu.memory_space<vmem>> -> memref<64xi32, #tpu.memory_space<vmem>>
        %dma_start3A_1285 = arith.constant 0 : i32
        %dma_start3A_1286 = arith.constant 0 : i32
        %dma_start3A_1287 = tpu.memref_slice %arg3[%dma_start3A_1285, %dma_start3A_1286] : memref<100000x128xf32, #tpu.memory_space<hbm>> -> memref<100000x128xf32, #tpu.memory_space<hbm>>
        tpu.enqueue_indirect_dma source(%dma_start3A_1287 : memref<100000x128xf32, #tpu.memory_space<hbm>>) target(%arg8 : memref<64x128xf32, #tpu.memory_space<vmem>>) offsets(%dma_start3A_1284 : memref<64xi32, #tpu.memory_space<vmem>>) semaphore(%arg18 : memref<!tpu.dma_semaphore, #tpu.memory_space<semaphore_mem>>)
      } else {
      }
      %add3A_810 = arith.constant 3 : i32
      %add3A_811 = arith.addi %mul3A_79, %add3A_810 : i32
      %jit3A_812 = arith.constant 2 : i32
      %div3A_813 = arith.divsi %add3A_811, %jit3A_812 : i32
      %sign3A_814 = arith.constant 0 : i32
      %sign3A_815 = arith.cmpi sgt, %add3A_811, %sign3A_814 : i32
      %sign3A_816 = arith.extui %sign3A_815 : i1 to i32
      %sign3A_817 = arith.constant 0 : i32
      %sign3A_818 = arith.cmpi slt, %add3A_811, %sign3A_817 : i32
      %sign3A_819 = arith.extui %sign3A_818 : i1 to i32
      %sign3A_820 = arith.subi %sign3A_816, %sign3A_819 : i32
      %sign3A_821 = arith.constant 0 : i32
      %sign3A_822 = arith.cmpi sgt, %jit3A_812, %sign3A_821 : i32
      %sign3A_823 = arith.extui %sign3A_822 : i1 to i32
      %sign3A_824 = arith.constant 0 : i32
      %sign3A_825 = arith.cmpi slt, %jit3A_812, %sign3A_824 : i32
      %sign3A_826 = arith.extui %sign3A_825 : i1 to i32
      %sign3A_827 = arith.subi %sign3A_823, %sign3A_826 : i32
      %ne3A_828 = arith.cmpi ne, %sign3A_820, %sign3A_827 : i32
      %rem3A_829 = arith.remsi %add3A_811, %jit3A_812 : i32
      %ne3A_830 = arith.constant 0 : i32
      %ne3A_831 = arith.cmpi ne, %rem3A_829, %ne3A_830 : i32
      %and3A_832 = arith.andi %ne3A_828, %ne3A_831 : i1
      %sub3A_833 = arith.constant 1 : i32
      %sub3A_834 = arith.subi %div3A_813, %sub3A_833 : i32
      %select_n3A_835 = arith.select %and3A_832, %sub3A_834, %div3A_813 : i32
      %mul3A_836 = arith.constant 4096 : i32
      %mul3A_837 = arith.muli %select_n3A_835, %mul3A_836 : i32
      %add3A_838 = arith.addi %mul3A_837, %mul3A_2 : i32
      %jit3A_839 = arith.constant 2 : i32
      %eq3A_840 = arith.constant 0 : i32
      %eq3A_841 = arith.cmpi eq, %jit3A_839, %eq3A_840 : i32
      %jit3A_842 = arith.constant 1 : i32
      %select_n3A_843 = arith.select %eq3A_841, %jit3A_842, %jit3A_839 : i32
      %rem3A_844 = arith.remsi %add3A_811, %select_n3A_843 : i32
      %ne3A_845 = arith.constant 0 : i32
      %ne3A_846 = arith.cmpi ne, %rem3A_844, %ne3A_845 : i32
      %lt3A_847 = arith.constant 0 : i32
      %lt3A_848 = arith.cmpi slt, %rem3A_844, %lt3A_847 : i32
      %lt3A_849 = arith.constant 0 : i32
      %lt3A_850 = arith.cmpi slt, %select_n3A_843, %lt3A_849 : i32
      %ne3A_851 = arith.xori %lt3A_848, %lt3A_850 : i1
      %and3A_852 = arith.andi %ne3A_851, %ne3A_846 : i1
      %add3A_853 = arith.addi %rem3A_844, %select_n3A_843 : i32
      %select_n3A_854 = arith.select %and3A_852, %add3A_853, %rem3A_844 : i32
      %mul3A_855 = arith.constant 64 : i32
      %mul3A_856 = arith.muli %select_n3A_854, %mul3A_855 : i32
      %add3A_857 = arith.addi %add3A_838, %mul3A_856 : i32
      %dma_wait3A_858 = arith.constant 0 : i32
      %dma_wait3A_859 = tpu.memref_slice %arg4[%add3A_857, %dma_wait3A_858] : memref<204800x128xf32, #tpu.memory_space<hbm>> -> memref<64x128xf32, #tpu.memory_space<hbm>>
      %dma_wait3A_860 = arith.constant 0 : i32
      %dma_wait3A_861 = tpu.memref_slice %arg4[%add3A_857, %dma_wait3A_860] : memref<204800x128xf32, #tpu.memory_space<hbm>> -> memref<64x128xf32, #tpu.memory_space<hbm>>
      tpu.wait_dma2 semaphore(%arg29 : memref<!tpu.dma_semaphore, #tpu.memory_space<semaphore_mem>>) src(%arg9 : memref<64x128xf32, #tpu.memory_space<vmem>>) dst(%dma_wait3A_861 : memref<64x128xf32, #tpu.memory_space<hbm>>)
      %add3A_862 = arith.constant 3 : i32
      %add3A_863 = arith.addi %mul3A_79, %add3A_862 : i32
      %add3A_864 = arith.constant 10 : i32
      %add3A_865 = arith.addi %add3A_863, %add3A_864 : i32
      %lt3A_866 = arith.constant 100 : i32
      %lt3A_867 = arith.cmpi slt, %add3A_865, %lt3A_866 : i32
      %convert_element_type3A_868 = arith.extui %lt3A_867 : i1 to i32
      %cond3A_869 = arith.constant 0 : i32
      %cond3A_870 = arith.cmpi ne, %convert_element_type3A_868, %cond3A_869 : i32
      scf.if %cond3A_870 {
        %add3A_1237 = arith.constant 3 : i32
        %add3A_1238 = arith.addi %mul3A_79, %add3A_1237 : i32
        %add3A_1239 = arith.constant 10 : i32
        %add3A_1240 = arith.addi %add3A_1238, %add3A_1239 : i32
        %jit3A_1241 = arith.constant 2 : i32
        %div3A_1242 = arith.divsi %add3A_1240, %jit3A_1241 : i32
        %sign3A_1243 = arith.constant 0 : i32
        %sign3A_1244 = arith.cmpi sgt, %add3A_1240, %sign3A_1243 : i32
        %sign3A_1245 = arith.extui %sign3A_1244 : i1 to i32
        %sign3A_1246 = arith.constant 0 : i32
        %sign3A_1247 = arith.cmpi slt, %add3A_1240, %sign3A_1246 : i32
        %sign3A_1248 = arith.extui %sign3A_1247 : i1 to i32
        %sign3A_1249 = arith.subi %sign3A_1245, %sign3A_1248 : i32
        %sign3A_1250 = arith.constant 0 : i32
        %sign3A_1251 = arith.cmpi sgt, %jit3A_1241, %sign3A_1250 : i32
        %sign3A_1252 = arith.extui %sign3A_1251 : i1 to i32
        %sign3A_1253 = arith.constant 0 : i32
        %sign3A_1254 = arith.cmpi slt, %jit3A_1241, %sign3A_1253 : i32
        %sign3A_1255 = arith.extui %sign3A_1254 : i1 to i32
        %sign3A_1256 = arith.subi %sign3A_1252, %sign3A_1255 : i32
        %ne3A_1257 = arith.cmpi ne, %sign3A_1249, %sign3A_1256 : i32
        %rem3A_1258 = arith.remsi %add3A_1240, %jit3A_1241 : i32
        %ne3A_1259 = arith.constant 0 : i32
        %ne3A_1260 = arith.cmpi ne, %rem3A_1258, %ne3A_1259 : i32
        %and3A_1261 = arith.andi %ne3A_1257, %ne3A_1260 : i1
        %sub3A_1262 = arith.constant 1 : i32
        %sub3A_1263 = arith.subi %div3A_1242, %sub3A_1262 : i32
        %select_n3A_1264 = arith.select %and3A_1261, %sub3A_1263, %div3A_1242 : i32
        %jit3A_1265 = arith.constant 2 : i32
        %eq3A_1266 = arith.constant 0 : i32
        %eq3A_1267 = arith.cmpi eq, %jit3A_1265, %eq3A_1266 : i32
        %jit3A_1268 = arith.constant 1 : i32
        %select_n3A_1269 = arith.select %eq3A_1267, %jit3A_1268, %jit3A_1265 : i32
        %rem3A_1270 = arith.remsi %add3A_1240, %select_n3A_1269 : i32
        %ne3A_1271 = arith.constant 0 : i32
        %ne3A_1272 = arith.cmpi ne, %rem3A_1270, %ne3A_1271 : i32
        %lt3A_1273 = arith.constant 0 : i32
        %lt3A_1274 = arith.cmpi slt, %rem3A_1270, %lt3A_1273 : i32
        %lt3A_1275 = arith.constant 0 : i32
        %lt3A_1276 = arith.cmpi slt, %select_n3A_1269, %lt3A_1275 : i32
        %ne3A_1277 = arith.xori %lt3A_1274, %lt3A_1276 : i1
        %and3A_1278 = arith.andi %ne3A_1277, %ne3A_1272 : i1
        %add3A_1279 = arith.addi %rem3A_1270, %select_n3A_1269 : i32
        %select_n3A_1280 = arith.select %and3A_1278, %add3A_1279, %rem3A_1270 : i32
        %mul3A_1281 = arith.constant 64 : i32
        %mul3A_1282 = arith.muli %select_n3A_1280, %mul3A_1281 : i32
        %dma_start3A_1283 = tpu.memref_slice %arg5[%select_n3A_1264, %mul3A_1282] : memref<50x128xi32, #tpu.memory_space<vmem>> -> memref<1x64xi32, #tpu.memory_space<vmem>>
        %dma_start3A_1284 = tpu.memref_squeeze %dma_start3A_1283 : memref<1x64xi32, #tpu.memory_space<vmem>> -> memref<64xi32, #tpu.memory_space<vmem>>
        %dma_start3A_1285 = arith.constant 0 : i32
        %dma_start3A_1286 = arith.constant 0 : i32
        %dma_start3A_1287 = tpu.memref_slice %arg3[%dma_start3A_1285, %dma_start3A_1286] : memref<100000x128xf32, #tpu.memory_space<hbm>> -> memref<100000x128xf32, #tpu.memory_space<hbm>>
        tpu.enqueue_indirect_dma source(%dma_start3A_1287 : memref<100000x128xf32, #tpu.memory_space<hbm>>) target(%arg9 : memref<64x128xf32, #tpu.memory_space<vmem>>) offsets(%dma_start3A_1284 : memref<64xi32, #tpu.memory_space<vmem>>) semaphore(%arg19 : memref<!tpu.dma_semaphore, #tpu.memory_space<semaphore_mem>>)
      } else {
      }
      %add3A_871 = arith.constant 4 : i32
      %add3A_872 = arith.addi %mul3A_79, %add3A_871 : i32
      %jit3A_873 = arith.constant 2 : i32
      %div3A_874 = arith.divsi %add3A_872, %jit3A_873 : i32
      %sign3A_875 = arith.constant 0 : i32
      %sign3A_876 = arith.cmpi sgt, %add3A_872, %sign3A_875 : i32
      %sign3A_877 = arith.extui %sign3A_876 : i1 to i32
      %sign3A_878 = arith.constant 0 : i32
      %sign3A_879 = arith.cmpi slt, %add3A_872, %sign3A_878 : i32
      %sign3A_880 = arith.extui %sign3A_879 : i1 to i32
      %sign3A_881 = arith.subi %sign3A_877, %sign3A_880 : i32
      %sign3A_882 = arith.constant 0 : i32
      %sign3A_883 = arith.cmpi sgt, %jit3A_873, %sign3A_882 : i32
      %sign3A_884 = arith.extui %sign3A_883 : i1 to i32
      %sign3A_885 = arith.constant 0 : i32
      %sign3A_886 = arith.cmpi slt, %jit3A_873, %sign3A_885 : i32
      %sign3A_887 = arith.extui %sign3A_886 : i1 to i32
      %sign3A_888 = arith.subi %sign3A_884, %sign3A_887 : i32
      %ne3A_889 = arith.cmpi ne, %sign3A_881, %sign3A_888 : i32
      %rem3A_890 = arith.remsi %add3A_872, %jit3A_873 : i32
      %ne3A_891 = arith.constant 0 : i32
      %ne3A_892 = arith.cmpi ne, %rem3A_890, %ne3A_891 : i32
      %and3A_893 = arith.andi %ne3A_889, %ne3A_892 : i1
      %sub3A_894 = arith.constant 1 : i32
      %sub3A_895 = arith.subi %div3A_874, %sub3A_894 : i32
      %select_n3A_896 = arith.select %and3A_893, %sub3A_895, %div3A_874 : i32
      %mul3A_897 = arith.constant 4096 : i32
      %mul3A_898 = arith.muli %select_n3A_896, %mul3A_897 : i32
      %add3A_899 = arith.addi %mul3A_898, %mul3A_2 : i32
      %jit3A_900 = arith.constant 2 : i32
      %eq3A_901 = arith.constant 0 : i32
      %eq3A_902 = arith.cmpi eq, %jit3A_900, %eq3A_901 : i32
      %jit3A_903 = arith.constant 1 : i32
      %select_n3A_904 = arith.select %eq3A_902, %jit3A_903, %jit3A_900 : i32
      %rem3A_905 = arith.remsi %add3A_872, %select_n3A_904 : i32
      %ne3A_906 = arith.constant 0 : i32
      %ne3A_907 = arith.cmpi ne, %rem3A_905, %ne3A_906 : i32
      %lt3A_908 = arith.constant 0 : i32
      %lt3A_909 = arith.cmpi slt, %rem3A_905, %lt3A_908 : i32
      %lt3A_910 = arith.constant 0 : i32
      %lt3A_911 = arith.cmpi slt, %select_n3A_904, %lt3A_910 : i32
      %ne3A_912 = arith.xori %lt3A_909, %lt3A_911 : i1
      %and3A_913 = arith.andi %ne3A_912, %ne3A_907 : i1
      %add3A_914 = arith.addi %rem3A_905, %select_n3A_904 : i32
      %select_n3A_915 = arith.select %and3A_913, %add3A_914, %rem3A_905 : i32
      %mul3A_916 = arith.constant 64 : i32
      %mul3A_917 = arith.muli %select_n3A_915, %mul3A_916 : i32
      %add3A_918 = arith.addi %add3A_899, %mul3A_917 : i32
      %dma_wait3A_919 = arith.constant 0 : i32
      %dma_wait3A_920 = tpu.memref_slice %arg4[%add3A_918, %dma_wait3A_919] : memref<204800x128xf32, #tpu.memory_space<hbm>> -> memref<64x128xf32, #tpu.memory_space<hbm>>
      %dma_wait3A_921 = arith.constant 0 : i32
      %dma_wait3A_922 = tpu.memref_slice %arg4[%add3A_918, %dma_wait3A_921] : memref<204800x128xf32, #tpu.memory_space<hbm>> -> memref<64x128xf32, #tpu.memory_space<hbm>>
      tpu.wait_dma2 semaphore(%arg30 : memref<!tpu.dma_semaphore, #tpu.memory_space<semaphore_mem>>) src(%arg10 : memref<64x128xf32, #tpu.memory_space<vmem>>) dst(%dma_wait3A_922 : memref<64x128xf32, #tpu.memory_space<hbm>>)
      %add3A_923 = arith.constant 4 : i32
      %add3A_924 = arith.addi %mul3A_79, %add3A_923 : i32
      %add3A_925 = arith.constant 10 : i32
      %add3A_926 = arith.addi %add3A_924, %add3A_925 : i32
      %lt3A_927 = arith.constant 100 : i32
      %lt3A_928 = arith.cmpi slt, %add3A_926, %lt3A_927 : i32
      %convert_element_type3A_929 = arith.extui %lt3A_928 : i1 to i32
      %cond3A_930 = arith.constant 0 : i32
      %cond3A_931 = arith.cmpi ne, %convert_element_type3A_929, %cond3A_930 : i32
      scf.if %cond3A_931 {
        %add3A_1237 = arith.constant 4 : i32
        %add3A_1238 = arith.addi %mul3A_79, %add3A_1237 : i32
        %add3A_1239 = arith.constant 10 : i32
        %add3A_1240 = arith.addi %add3A_1238, %add3A_1239 : i32
        %jit3A_1241 = arith.constant 2 : i32
        %div3A_1242 = arith.divsi %add3A_1240, %jit3A_1241 : i32
        %sign3A_1243 = arith.constant 0 : i32
        %sign3A_1244 = arith.cmpi sgt, %add3A_1240, %sign3A_1243 : i32
        %sign3A_1245 = arith.extui %sign3A_1244 : i1 to i32
        %sign3A_1246 = arith.constant 0 : i32
        %sign3A_1247 = arith.cmpi slt, %add3A_1240, %sign3A_1246 : i32
        %sign3A_1248 = arith.extui %sign3A_1247 : i1 to i32
        %sign3A_1249 = arith.subi %sign3A_1245, %sign3A_1248 : i32
        %sign3A_1250 = arith.constant 0 : i32
        %sign3A_1251 = arith.cmpi sgt, %jit3A_1241, %sign3A_1250 : i32
        %sign3A_1252 = arith.extui %sign3A_1251 : i1 to i32
        %sign3A_1253 = arith.constant 0 : i32
        %sign3A_1254 = arith.cmpi slt, %jit3A_1241, %sign3A_1253 : i32
        %sign3A_1255 = arith.extui %sign3A_1254 : i1 to i32
        %sign3A_1256 = arith.subi %sign3A_1252, %sign3A_1255 : i32
        %ne3A_1257 = arith.cmpi ne, %sign3A_1249, %sign3A_1256 : i32
        %rem3A_1258 = arith.remsi %add3A_1240, %jit3A_1241 : i32
        %ne3A_1259 = arith.constant 0 : i32
        %ne3A_1260 = arith.cmpi ne, %rem3A_1258, %ne3A_1259 : i32
        %and3A_1261 = arith.andi %ne3A_1257, %ne3A_1260 : i1
        %sub3A_1262 = arith.constant 1 : i32
        %sub3A_1263 = arith.subi %div3A_1242, %sub3A_1262 : i32
        %select_n3A_1264 = arith.select %and3A_1261, %sub3A_1263, %div3A_1242 : i32
        %jit3A_1265 = arith.constant 2 : i32
        %eq3A_1266 = arith.constant 0 : i32
        %eq3A_1267 = arith.cmpi eq, %jit3A_1265, %eq3A_1266 : i32
        %jit3A_1268 = arith.constant 1 : i32
        %select_n3A_1269 = arith.select %eq3A_1267, %jit3A_1268, %jit3A_1265 : i32
        %rem3A_1270 = arith.remsi %add3A_1240, %select_n3A_1269 : i32
        %ne3A_1271 = arith.constant 0 : i32
        %ne3A_1272 = arith.cmpi ne, %rem3A_1270, %ne3A_1271 : i32
        %lt3A_1273 = arith.constant 0 : i32
        %lt3A_1274 = arith.cmpi slt, %rem3A_1270, %lt3A_1273 : i32
        %lt3A_1275 = arith.constant 0 : i32
        %lt3A_1276 = arith.cmpi slt, %select_n3A_1269, %lt3A_1275 : i32
        %ne3A_1277 = arith.xori %lt3A_1274, %lt3A_1276 : i1
        %and3A_1278 = arith.andi %ne3A_1277, %ne3A_1272 : i1
        %add3A_1279 = arith.addi %rem3A_1270, %select_n3A_1269 : i32
        %select_n3A_1280 = arith.select %and3A_1278, %add3A_1279, %rem3A_1270 : i32
        %mul3A_1281 = arith.constant 64 : i32
        %mul3A_1282 = arith.muli %select_n3A_1280, %mul3A_1281 : i32
        %dma_start3A_1283 = tpu.memref_slice %arg5[%select_n3A_1264, %mul3A_1282] : memref<50x128xi32, #tpu.memory_space<vmem>> -> memref<1x64xi32, #tpu.memory_space<vmem>>
        %dma_start3A_1284 = tpu.memref_squeeze %dma_start3A_1283 : memref<1x64xi32, #tpu.memory_space<vmem>> -> memref<64xi32, #tpu.memory_space<vmem>>
        %dma_start3A_1285 = arith.constant 0 : i32
        %dma_start3A_1286 = arith.constant 0 : i32
        %dma_start3A_1287 = tpu.memref_slice %arg3[%dma_start3A_1285, %dma_start3A_1286] : memref<100000x128xf32, #tpu.memory_space<hbm>> -> memref<100000x128xf32, #tpu.memory_space<hbm>>
        tpu.enqueue_indirect_dma source(%dma_start3A_1287 : memref<100000x128xf32, #tpu.memory_space<hbm>>) target(%arg10 : memref<64x128xf32, #tpu.memory_space<vmem>>) offsets(%dma_start3A_1284 : memref<64xi32, #tpu.memory_space<vmem>>) semaphore(%arg20 : memref<!tpu.dma_semaphore, #tpu.memory_space<semaphore_mem>>)
      } else {
      }
      %add3A_932 = arith.constant 5 : i32
      %add3A_933 = arith.addi %mul3A_79, %add3A_932 : i32
      %jit3A_934 = arith.constant 2 : i32
      %div3A_935 = arith.divsi %add3A_933, %jit3A_934 : i32
      %sign3A_936 = arith.constant 0 : i32
      %sign3A_937 = arith.cmpi sgt, %add3A_933, %sign3A_936 : i32
      %sign3A_938 = arith.extui %sign3A_937 : i1 to i32
      %sign3A_939 = arith.constant 0 : i32
      %sign3A_940 = arith.cmpi slt, %add3A_933, %sign3A_939 : i32
      %sign3A_941 = arith.extui %sign3A_940 : i1 to i32
      %sign3A_942 = arith.subi %sign3A_938, %sign3A_941 : i32
      %sign3A_943 = arith.constant 0 : i32
      %sign3A_944 = arith.cmpi sgt, %jit3A_934, %sign3A_943 : i32
      %sign3A_945 = arith.extui %sign3A_944 : i1 to i32
      %sign3A_946 = arith.constant 0 : i32
      %sign3A_947 = arith.cmpi slt, %jit3A_934, %sign3A_946 : i32
      %sign3A_948 = arith.extui %sign3A_947 : i1 to i32
      %sign3A_949 = arith.subi %sign3A_945, %sign3A_948 : i32
      %ne3A_950 = arith.cmpi ne, %sign3A_942, %sign3A_949 : i32
      %rem3A_951 = arith.remsi %add3A_933, %jit3A_934 : i32
      %ne3A_952 = arith.constant 0 : i32
      %ne3A_953 = arith.cmpi ne, %rem3A_951, %ne3A_952 : i32
      %and3A_954 = arith.andi %ne3A_950, %ne3A_953 : i1
      %sub3A_955 = arith.constant 1 : i32
      %sub3A_956 = arith.subi %div3A_935, %sub3A_955 : i32
      %select_n3A_957 = arith.select %and3A_954, %sub3A_956, %div3A_935 : i32
      %mul3A_958 = arith.constant 4096 : i32
      %mul3A_959 = arith.muli %select_n3A_957, %mul3A_958 : i32
      %add3A_960 = arith.addi %mul3A_959, %mul3A_2 : i32
      %jit3A_961 = arith.constant 2 : i32
      %eq3A_962 = arith.constant 0 : i32
      %eq3A_963 = arith.cmpi eq, %jit3A_961, %eq3A_962 : i32
      %jit3A_964 = arith.constant 1 : i32
      %select_n3A_965 = arith.select %eq3A_963, %jit3A_964, %jit3A_961 : i32
      %rem3A_966 = arith.remsi %add3A_933, %select_n3A_965 : i32
      %ne3A_967 = arith.constant 0 : i32
      %ne3A_968 = arith.cmpi ne, %rem3A_966, %ne3A_967 : i32
      %lt3A_969 = arith.constant 0 : i32
      %lt3A_970 = arith.cmpi slt, %rem3A_966, %lt3A_969 : i32
      %lt3A_971 = arith.constant 0 : i32
      %lt3A_972 = arith.cmpi slt, %select_n3A_965, %lt3A_971 : i32
      %ne3A_973 = arith.xori %lt3A_970, %lt3A_972 : i1
      %and3A_974 = arith.andi %ne3A_973, %ne3A_968 : i1
      %add3A_975 = arith.addi %rem3A_966, %select_n3A_965 : i32
      %select_n3A_976 = arith.select %and3A_974, %add3A_975, %rem3A_966 : i32
      %mul3A_977 = arith.constant 64 : i32
      %mul3A_978 = arith.muli %select_n3A_976, %mul3A_977 : i32
      %add3A_979 = arith.addi %add3A_960, %mul3A_978 : i32
      %dma_wait3A_980 = arith.constant 0 : i32
      %dma_wait3A_981 = tpu.memref_slice %arg4[%add3A_979, %dma_wait3A_980] : memref<204800x128xf32, #tpu.memory_space<hbm>> -> memref<64x128xf32, #tpu.memory_space<hbm>>
      %dma_wait3A_982 = arith.constant 0 : i32
      %dma_wait3A_983 = tpu.memref_slice %arg4[%add3A_979, %dma_wait3A_982] : memref<204800x128xf32, #tpu.memory_space<hbm>> -> memref<64x128xf32, #tpu.memory_space<hbm>>
      tpu.wait_dma2 semaphore(%arg31 : memref<!tpu.dma_semaphore, #tpu.memory_space<semaphore_mem>>) src(%arg11 : memref<64x128xf32, #tpu.memory_space<vmem>>) dst(%dma_wait3A_983 : memref<64x128xf32, #tpu.memory_space<hbm>>)
      %add3A_984 = arith.constant 5 : i32
      %add3A_985 = arith.addi %mul3A_79, %add3A_984 : i32
      %add3A_986 = arith.constant 10 : i32
      %add3A_987 = arith.addi %add3A_985, %add3A_986 : i32
      %lt3A_988 = arith.constant 100 : i32
      %lt3A_989 = arith.cmpi slt, %add3A_987, %lt3A_988 : i32
      %convert_element_type3A_990 = arith.extui %lt3A_989 : i1 to i32
      %cond3A_991 = arith.constant 0 : i32
      %cond3A_992 = arith.cmpi ne, %convert_element_type3A_990, %cond3A_991 : i32
      scf.if %cond3A_992 {
        %add3A_1237 = arith.constant 5 : i32
        %add3A_1238 = arith.addi %mul3A_79, %add3A_1237 : i32
        %add3A_1239 = arith.constant 10 : i32
        %add3A_1240 = arith.addi %add3A_1238, %add3A_1239 : i32
        %jit3A_1241 = arith.constant 2 : i32
        %div3A_1242 = arith.divsi %add3A_1240, %jit3A_1241 : i32
        %sign3A_1243 = arith.constant 0 : i32
        %sign3A_1244 = arith.cmpi sgt, %add3A_1240, %sign3A_1243 : i32
        %sign3A_1245 = arith.extui %sign3A_1244 : i1 to i32
        %sign3A_1246 = arith.constant 0 : i32
        %sign3A_1247 = arith.cmpi slt, %add3A_1240, %sign3A_1246 : i32
        %sign3A_1248 = arith.extui %sign3A_1247 : i1 to i32
        %sign3A_1249 = arith.subi %sign3A_1245, %sign3A_1248 : i32
        %sign3A_1250 = arith.constant 0 : i32
        %sign3A_1251 = arith.cmpi sgt, %jit3A_1241, %sign3A_1250 : i32
        %sign3A_1252 = arith.extui %sign3A_1251 : i1 to i32
        %sign3A_1253 = arith.constant 0 : i32
        %sign3A_1254 = arith.cmpi slt, %jit3A_1241, %sign3A_1253 : i32
        %sign3A_1255 = arith.extui %sign3A_1254 : i1 to i32
        %sign3A_1256 = arith.subi %sign3A_1252, %sign3A_1255 : i32
        %ne3A_1257 = arith.cmpi ne, %sign3A_1249, %sign3A_1256 : i32
        %rem3A_1258 = arith.remsi %add3A_1240, %jit3A_1241 : i32
        %ne3A_1259 = arith.constant 0 : i32
        %ne3A_1260 = arith.cmpi ne, %rem3A_1258, %ne3A_1259 : i32
        %and3A_1261 = arith.andi %ne3A_1257, %ne3A_1260 : i1
        %sub3A_1262 = arith.constant 1 : i32
        %sub3A_1263 = arith.subi %div3A_1242, %sub3A_1262 : i32
        %select_n3A_1264 = arith.select %and3A_1261, %sub3A_1263, %div3A_1242 : i32
        %jit3A_1265 = arith.constant 2 : i32
        %eq3A_1266 = arith.constant 0 : i32
        %eq3A_1267 = arith.cmpi eq, %jit3A_1265, %eq3A_1266 : i32
        %jit3A_1268 = arith.constant 1 : i32
        %select_n3A_1269 = arith.select %eq3A_1267, %jit3A_1268, %jit3A_1265 : i32
        %rem3A_1270 = arith.remsi %add3A_1240, %select_n3A_1269 : i32
        %ne3A_1271 = arith.constant 0 : i32
        %ne3A_1272 = arith.cmpi ne, %rem3A_1270, %ne3A_1271 : i32
        %lt3A_1273 = arith.constant 0 : i32
        %lt3A_1274 = arith.cmpi slt, %rem3A_1270, %lt3A_1273 : i32
        %lt3A_1275 = arith.constant 0 : i32
        %lt3A_1276 = arith.cmpi slt, %select_n3A_1269, %lt3A_1275 : i32
        %ne3A_1277 = arith.xori %lt3A_1274, %lt3A_1276 : i1
        %and3A_1278 = arith.andi %ne3A_1277, %ne3A_1272 : i1
        %add3A_1279 = arith.addi %rem3A_1270, %select_n3A_1269 : i32
        %select_n3A_1280 = arith.select %and3A_1278, %add3A_1279, %rem3A_1270 : i32
        %mul3A_1281 = arith.constant 64 : i32
        %mul3A_1282 = arith.muli %select_n3A_1280, %mul3A_1281 : i32
        %dma_start3A_1283 = tpu.memref_slice %arg5[%select_n3A_1264, %mul3A_1282] : memref<50x128xi32, #tpu.memory_space<vmem>> -> memref<1x64xi32, #tpu.memory_space<vmem>>
        %dma_start3A_1284 = tpu.memref_squeeze %dma_start3A_1283 : memref<1x64xi32, #tpu.memory_space<vmem>> -> memref<64xi32, #tpu.memory_space<vmem>>
        %dma_start3A_1285 = arith.constant 0 : i32
        %dma_start3A_1286 = arith.constant 0 : i32
        %dma_start3A_1287 = tpu.memref_slice %arg3[%dma_start3A_1285, %dma_start3A_1286] : memref<100000x128xf32, #tpu.memory_space<hbm>> -> memref<100000x128xf32, #tpu.memory_space<hbm>>
        tpu.enqueue_indirect_dma source(%dma_start3A_1287 : memref<100000x128xf32, #tpu.memory_space<hbm>>) target(%arg11 : memref<64x128xf32, #tpu.memory_space<vmem>>) offsets(%dma_start3A_1284 : memref<64xi32, #tpu.memory_space<vmem>>) semaphore(%arg21 : memref<!tpu.dma_semaphore, #tpu.memory_space<semaphore_mem>>)
      } else {
      }
      %add3A_993 = arith.constant 6 : i32
      %add3A_994 = arith.addi %mul3A_79, %add3A_993 : i32
      %jit3A_995 = arith.constant 2 : i32
      %div3A_996 = arith.divsi %add3A_994, %jit3A_995 : i32
      %sign3A_997 = arith.constant 0 : i32
      %sign3A_998 = arith.cmpi sgt, %add3A_994, %sign3A_997 : i32
      %sign3A_999 = arith.extui %sign3A_998 : i1 to i32
      %sign3A_1000 = arith.constant 0 : i32
      %sign3A_1001 = arith.cmpi slt, %add3A_994, %sign3A_1000 : i32
      %sign3A_1002 = arith.extui %sign3A_1001 : i1 to i32
      %sign3A_1003 = arith.subi %sign3A_999, %sign3A_1002 : i32
      %sign3A_1004 = arith.constant 0 : i32
      %sign3A_1005 = arith.cmpi sgt, %jit3A_995, %sign3A_1004 : i32
      %sign3A_1006 = arith.extui %sign3A_1005 : i1 to i32
      %sign3A_1007 = arith.constant 0 : i32
      %sign3A_1008 = arith.cmpi slt, %jit3A_995, %sign3A_1007 : i32
      %sign3A_1009 = arith.extui %sign3A_1008 : i1 to i32
      %sign3A_1010 = arith.subi %sign3A_1006, %sign3A_1009 : i32
      %ne3A_1011 = arith.cmpi ne, %sign3A_1003, %sign3A_1010 : i32
      %rem3A_1012 = arith.remsi %add3A_994, %jit3A_995 : i32
      %ne3A_1013 = arith.constant 0 : i32
      %ne3A_1014 = arith.cmpi ne, %rem3A_1012, %ne3A_1013 : i32
      %and3A_1015 = arith.andi %ne3A_1011, %ne3A_1014 : i1
      %sub3A_1016 = arith.constant 1 : i32
      %sub3A_1017 = arith.subi %div3A_996, %sub3A_1016 : i32
      %select_n3A_1018 = arith.select %and3A_1015, %sub3A_1017, %div3A_996 : i32
      %mul3A_1019 = arith.constant 4096 : i32
      %mul3A_1020 = arith.muli %select_n3A_1018, %mul3A_1019 : i32
      %add3A_1021 = arith.addi %mul3A_1020, %mul3A_2 : i32
      %jit3A_1022 = arith.constant 2 : i32
      %eq3A_1023 = arith.constant 0 : i32
      %eq3A_1024 = arith.cmpi eq, %jit3A_1022, %eq3A_1023 : i32
      %jit3A_1025 = arith.constant 1 : i32
      %select_n3A_1026 = arith.select %eq3A_1024, %jit3A_1025, %jit3A_1022 : i32
      %rem3A_1027 = arith.remsi %add3A_994, %select_n3A_1026 : i32
      %ne3A_1028 = arith.constant 0 : i32
      %ne3A_1029 = arith.cmpi ne, %rem3A_1027, %ne3A_1028 : i32
      %lt3A_1030 = arith.constant 0 : i32
      %lt3A_1031 = arith.cmpi slt, %rem3A_1027, %lt3A_1030 : i32
      %lt3A_1032 = arith.constant 0 : i32
      %lt3A_1033 = arith.cmpi slt, %select_n3A_1026, %lt3A_1032 : i32
      %ne3A_1034 = arith.xori %lt3A_1031, %lt3A_1033 : i1
      %and3A_1035 = arith.andi %ne3A_1034, %ne3A_1029 : i1
      %add3A_1036 = arith.addi %rem3A_1027, %select_n3A_1026 : i32
      %select_n3A_1037 = arith.select %and3A_1035, %add3A_1036, %rem3A_1027 : i32
      %mul3A_1038 = arith.constant 64 : i32
      %mul3A_1039 = arith.muli %select_n3A_1037, %mul3A_1038 : i32
      %add3A_1040 = arith.addi %add3A_1021, %mul3A_1039 : i32
      %dma_wait3A_1041 = arith.constant 0 : i32
      %dma_wait3A_1042 = tpu.memref_slice %arg4[%add3A_1040, %dma_wait3A_1041] : memref<204800x128xf32, #tpu.memory_space<hbm>> -> memref<64x128xf32, #tpu.memory_space<hbm>>
      %dma_wait3A_1043 = arith.constant 0 : i32
      %dma_wait3A_1044 = tpu.memref_slice %arg4[%add3A_1040, %dma_wait3A_1043] : memref<204800x128xf32, #tpu.memory_space<hbm>> -> memref<64x128xf32, #tpu.memory_space<hbm>>
      tpu.wait_dma2 semaphore(%arg32 : memref<!tpu.dma_semaphore, #tpu.memory_space<semaphore_mem>>) src(%arg12 : memref<64x128xf32, #tpu.memory_space<vmem>>) dst(%dma_wait3A_1044 : memref<64x128xf32, #tpu.memory_space<hbm>>)
      %add3A_1045 = arith.constant 6 : i32
      %add3A_1046 = arith.addi %mul3A_79, %add3A_1045 : i32
      %add3A_1047 = arith.constant 10 : i32
      %add3A_1048 = arith.addi %add3A_1046, %add3A_1047 : i32
      %lt3A_1049 = arith.constant 100 : i32
      %lt3A_1050 = arith.cmpi slt, %add3A_1048, %lt3A_1049 : i32
      %convert_element_type3A_1051 = arith.extui %lt3A_1050 : i1 to i32
      %cond3A_1052 = arith.constant 0 : i32
      %cond3A_1053 = arith.cmpi ne, %convert_element_type3A_1051, %cond3A_1052 : i32
      scf.if %cond3A_1053 {
        %add3A_1237 = arith.constant 6 : i32
        %add3A_1238 = arith.addi %mul3A_79, %add3A_1237 : i32
        %add3A_1239 = arith.constant 10 : i32
        %add3A_1240 = arith.addi %add3A_1238, %add3A_1239 : i32
        %jit3A_1241 = arith.constant 2 : i32
        %div3A_1242 = arith.divsi %add3A_1240, %jit3A_1241 : i32
        %sign3A_1243 = arith.constant 0 : i32
        %sign3A_1244 = arith.cmpi sgt, %add3A_1240, %sign3A_1243 : i32
        %sign3A_1245 = arith.extui %sign3A_1244 : i1 to i32
        %sign3A_1246 = arith.constant 0 : i32
        %sign3A_1247 = arith.cmpi slt, %add3A_1240, %sign3A_1246 : i32
        %sign3A_1248 = arith.extui %sign3A_1247 : i1 to i32
        %sign3A_1249 = arith.subi %sign3A_1245, %sign3A_1248 : i32
        %sign3A_1250 = arith.constant 0 : i32
        %sign3A_1251 = arith.cmpi sgt, %jit3A_1241, %sign3A_1250 : i32
        %sign3A_1252 = arith.extui %sign3A_1251 : i1 to i32
        %sign3A_1253 = arith.constant 0 : i32
        %sign3A_1254 = arith.cmpi slt, %jit3A_1241, %sign3A_1253 : i32
        %sign3A_1255 = arith.extui %sign3A_1254 : i1 to i32
        %sign3A_1256 = arith.subi %sign3A_1252, %sign3A_1255 : i32
        %ne3A_1257 = arith.cmpi ne, %sign3A_1249, %sign3A_1256 : i32
        %rem3A_1258 = arith.remsi %add3A_1240, %jit3A_1241 : i32
        %ne3A_1259 = arith.constant 0 : i32
        %ne3A_1260 = arith.cmpi ne, %rem3A_1258, %ne3A_1259 : i32
        %and3A_1261 = arith.andi %ne3A_1257, %ne3A_1260 : i1
        %sub3A_1262 = arith.constant 1 : i32
        %sub3A_1263 = arith.subi %div3A_1242, %sub3A_1262 : i32
        %select_n3A_1264 = arith.select %and3A_1261, %sub3A_1263, %div3A_1242 : i32
        %jit3A_1265 = arith.constant 2 : i32
        %eq3A_1266 = arith.constant 0 : i32
        %eq3A_1267 = arith.cmpi eq, %jit3A_1265, %eq3A_1266 : i32
        %jit3A_1268 = arith.constant 1 : i32
        %select_n3A_1269 = arith.select %eq3A_1267, %jit3A_1268, %jit3A_1265 : i32
        %rem3A_1270 = arith.remsi %add3A_1240, %select_n3A_1269 : i32
        %ne3A_1271 = arith.constant 0 : i32
        %ne3A_1272 = arith.cmpi ne, %rem3A_1270, %ne3A_1271 : i32
        %lt3A_1273 = arith.constant 0 : i32
        %lt3A_1274 = arith.cmpi slt, %rem3A_1270, %lt3A_1273 : i32
        %lt3A_1275 = arith.constant 0 : i32
        %lt3A_1276 = arith.cmpi slt, %select_n3A_1269, %lt3A_1275 : i32
        %ne3A_1277 = arith.xori %lt3A_1274, %lt3A_1276 : i1
        %and3A_1278 = arith.andi %ne3A_1277, %ne3A_1272 : i1
        %add3A_1279 = arith.addi %rem3A_1270, %select_n3A_1269 : i32
        %select_n3A_1280 = arith.select %and3A_1278, %add3A_1279, %rem3A_1270 : i32
        %mul3A_1281 = arith.constant 64 : i32
        %mul3A_1282 = arith.muli %select_n3A_1280, %mul3A_1281 : i32
        %dma_start3A_1283 = tpu.memref_slice %arg5[%select_n3A_1264, %mul3A_1282] : memref<50x128xi32, #tpu.memory_space<vmem>> -> memref<1x64xi32, #tpu.memory_space<vmem>>
        %dma_start3A_1284 = tpu.memref_squeeze %dma_start3A_1283 : memref<1x64xi32, #tpu.memory_space<vmem>> -> memref<64xi32, #tpu.memory_space<vmem>>
        %dma_start3A_1285 = arith.constant 0 : i32
        %dma_start3A_1286 = arith.constant 0 : i32
        %dma_start3A_1287 = tpu.memref_slice %arg3[%dma_start3A_1285, %dma_start3A_1286] : memref<100000x128xf32, #tpu.memory_space<hbm>> -> memref<100000x128xf32, #tpu.memory_space<hbm>>
        tpu.enqueue_indirect_dma source(%dma_start3A_1287 : memref<100000x128xf32, #tpu.memory_space<hbm>>) target(%arg12 : memref<64x128xf32, #tpu.memory_space<vmem>>) offsets(%dma_start3A_1284 : memref<64xi32, #tpu.memory_space<vmem>>) semaphore(%arg22 : memref<!tpu.dma_semaphore, #tpu.memory_space<semaphore_mem>>)
      } else {
      }
      %add3A_1054 = arith.constant 7 : i32
      %add3A_1055 = arith.addi %mul3A_79, %add3A_1054 : i32
      %jit3A_1056 = arith.constant 2 : i32
      %div3A_1057 = arith.divsi %add3A_1055, %jit3A_1056 : i32
      %sign3A_1058 = arith.constant 0 : i32
      %sign3A_1059 = arith.cmpi sgt, %add3A_1055, %sign3A_1058 : i32
      %sign3A_1060 = arith.extui %sign3A_1059 : i1 to i32
      %sign3A_1061 = arith.constant 0 : i32
      %sign3A_1062 = arith.cmpi slt, %add3A_1055, %sign3A_1061 : i32
      %sign3A_1063 = arith.extui %sign3A_1062 : i1 to i32
      %sign3A_1064 = arith.subi %sign3A_1060, %sign3A_1063 : i32
      %sign3A_1065 = arith.constant 0 : i32
      %sign3A_1066 = arith.cmpi sgt, %jit3A_1056, %sign3A_1065 : i32
      %sign3A_1067 = arith.extui %sign3A_1066 : i1 to i32
      %sign3A_1068 = arith.constant 0 : i32
      %sign3A_1069 = arith.cmpi slt, %jit3A_1056, %sign3A_1068 : i32
      %sign3A_1070 = arith.extui %sign3A_1069 : i1 to i32
      %sign3A_1071 = arith.subi %sign3A_1067, %sign3A_1070 : i32
      %ne3A_1072 = arith.cmpi ne, %sign3A_1064, %sign3A_1071 : i32
      %rem3A_1073 = arith.remsi %add3A_1055, %jit3A_1056 : i32
      %ne3A_1074 = arith.constant 0 : i32
      %ne3A_1075 = arith.cmpi ne, %rem3A_1073, %ne3A_1074 : i32
      %and3A_1076 = arith.andi %ne3A_1072, %ne3A_1075 : i1
      %sub3A_1077 = arith.constant 1 : i32
      %sub3A_1078 = arith.subi %div3A_1057, %sub3A_1077 : i32
      %select_n3A_1079 = arith.select %and3A_1076, %sub3A_1078, %div3A_1057 : i32
      %mul3A_1080 = arith.constant 4096 : i32
      %mul3A_1081 = arith.muli %select_n3A_1079, %mul3A_1080 : i32
      %add3A_1082 = arith.addi %mul3A_1081, %mul3A_2 : i32
      %jit3A_1083 = arith.constant 2 : i32
      %eq3A_1084 = arith.constant 0 : i32
      %eq3A_1085 = arith.cmpi eq, %jit3A_1083, %eq3A_1084 : i32
      %jit3A_1086 = arith.constant 1 : i32
      %select_n3A_1087 = arith.select %eq3A_1085, %jit3A_1086, %jit3A_1083 : i32
      %rem3A_1088 = arith.remsi %add3A_1055, %select_n3A_1087 : i32
      %ne3A_1089 = arith.constant 0 : i32
      %ne3A_1090 = arith.cmpi ne, %rem3A_1088, %ne3A_1089 : i32
      %lt3A_1091 = arith.constant 0 : i32
      %lt3A_1092 = arith.cmpi slt, %rem3A_1088, %lt3A_1091 : i32
      %lt3A_1093 = arith.constant 0 : i32
      %lt3A_1094 = arith.cmpi slt, %select_n3A_1087, %lt3A_1093 : i32
      %ne3A_1095 = arith.xori %lt3A_1092, %lt3A_1094 : i1
      %and3A_1096 = arith.andi %ne3A_1095, %ne3A_1090 : i1
      %add3A_1097 = arith.addi %rem3A_1088, %select_n3A_1087 : i32
      %select_n3A_1098 = arith.select %and3A_1096, %add3A_1097, %rem3A_1088 : i32
      %mul3A_1099 = arith.constant 64 : i32
      %mul3A_1100 = arith.muli %select_n3A_1098, %mul3A_1099 : i32
      %add3A_1101 = arith.addi %add3A_1082, %mul3A_1100 : i32
      %dma_wait3A_1102 = arith.constant 0 : i32
      %dma_wait3A_1103 = tpu.memref_slice %arg4[%add3A_1101, %dma_wait3A_1102] : memref<204800x128xf32, #tpu.memory_space<hbm>> -> memref<64x128xf32, #tpu.memory_space<hbm>>
      %dma_wait3A_1104 = arith.constant 0 : i32
      %dma_wait3A_1105 = tpu.memref_slice %arg4[%add3A_1101, %dma_wait3A_1104] : memref<204800x128xf32, #tpu.memory_space<hbm>> -> memref<64x128xf32, #tpu.memory_space<hbm>>
      tpu.wait_dma2 semaphore(%arg33 : memref<!tpu.dma_semaphore, #tpu.memory_space<semaphore_mem>>) src(%arg13 : memref<64x128xf32, #tpu.memory_space<vmem>>) dst(%dma_wait3A_1105 : memref<64x128xf32, #tpu.memory_space<hbm>>)
      %add3A_1106 = arith.constant 7 : i32
      %add3A_1107 = arith.addi %mul3A_79, %add3A_1106 : i32
      %add3A_1108 = arith.constant 10 : i32
      %add3A_1109 = arith.addi %add3A_1107, %add3A_1108 : i32
      %lt3A_1110 = arith.constant 100 : i32
      %lt3A_1111 = arith.cmpi slt, %add3A_1109, %lt3A_1110 : i32
      %convert_element_type3A_1112 = arith.extui %lt3A_1111 : i1 to i32
      %cond3A_1113 = arith.constant 0 : i32
      %cond3A_1114 = arith.cmpi ne, %convert_element_type3A_1112, %cond3A_1113 : i32
      scf.if %cond3A_1114 {
        %add3A_1237 = arith.constant 7 : i32
        %add3A_1238 = arith.addi %mul3A_79, %add3A_1237 : i32
        %add3A_1239 = arith.constant 10 : i32
        %add3A_1240 = arith.addi %add3A_1238, %add3A_1239 : i32
        %jit3A_1241 = arith.constant 2 : i32
        %div3A_1242 = arith.divsi %add3A_1240, %jit3A_1241 : i32
        %sign3A_1243 = arith.constant 0 : i32
        %sign3A_1244 = arith.cmpi sgt, %add3A_1240, %sign3A_1243 : i32
        %sign3A_1245 = arith.extui %sign3A_1244 : i1 to i32
        %sign3A_1246 = arith.constant 0 : i32
        %sign3A_1247 = arith.cmpi slt, %add3A_1240, %sign3A_1246 : i32
        %sign3A_1248 = arith.extui %sign3A_1247 : i1 to i32
        %sign3A_1249 = arith.subi %sign3A_1245, %sign3A_1248 : i32
        %sign3A_1250 = arith.constant 0 : i32
        %sign3A_1251 = arith.cmpi sgt, %jit3A_1241, %sign3A_1250 : i32
        %sign3A_1252 = arith.extui %sign3A_1251 : i1 to i32
        %sign3A_1253 = arith.constant 0 : i32
        %sign3A_1254 = arith.cmpi slt, %jit3A_1241, %sign3A_1253 : i32
        %sign3A_1255 = arith.extui %sign3A_1254 : i1 to i32
        %sign3A_1256 = arith.subi %sign3A_1252, %sign3A_1255 : i32
        %ne3A_1257 = arith.cmpi ne, %sign3A_1249, %sign3A_1256 : i32
        %rem3A_1258 = arith.remsi %add3A_1240, %jit3A_1241 : i32
        %ne3A_1259 = arith.constant 0 : i32
        %ne3A_1260 = arith.cmpi ne, %rem3A_1258, %ne3A_1259 : i32
        %and3A_1261 = arith.andi %ne3A_1257, %ne3A_1260 : i1
        %sub3A_1262 = arith.constant 1 : i32
        %sub3A_1263 = arith.subi %div3A_1242, %sub3A_1262 : i32
        %select_n3A_1264 = arith.select %and3A_1261, %sub3A_1263, %div3A_1242 : i32
        %jit3A_1265 = arith.constant 2 : i32
        %eq3A_1266 = arith.constant 0 : i32
        %eq3A_1267 = arith.cmpi eq, %jit3A_1265, %eq3A_1266 : i32
        %jit3A_1268 = arith.constant 1 : i32
        %select_n3A_1269 = arith.select %eq3A_1267, %jit3A_1268, %jit3A_1265 : i32
        %rem3A_1270 = arith.remsi %add3A_1240, %select_n3A_1269 : i32
        %ne3A_1271 = arith.constant 0 : i32
        %ne3A_1272 = arith.cmpi ne, %rem3A_1270, %ne3A_1271 : i32
        %lt3A_1273 = arith.constant 0 : i32
        %lt3A_1274 = arith.cmpi slt, %rem3A_1270, %lt3A_1273 : i32
        %lt3A_1275 = arith.constant 0 : i32
        %lt3A_1276 = arith.cmpi slt, %select_n3A_1269, %lt3A_1275 : i32
        %ne3A_1277 = arith.xori %lt3A_1274, %lt3A_1276 : i1
        %and3A_1278 = arith.andi %ne3A_1277, %ne3A_1272 : i1
        %add3A_1279 = arith.addi %rem3A_1270, %select_n3A_1269 : i32
        %select_n3A_1280 = arith.select %and3A_1278, %add3A_1279, %rem3A_1270 : i32
        %mul3A_1281 = arith.constant 64 : i32
        %mul3A_1282 = arith.muli %select_n3A_1280, %mul3A_1281 : i32
        %dma_start3A_1283 = tpu.memref_slice %arg5[%select_n3A_1264, %mul3A_1282] : memref<50x128xi32, #tpu.memory_space<vmem>> -> memref<1x64xi32, #tpu.memory_space<vmem>>
        %dma_start3A_1284 = tpu.memref_squeeze %dma_start3A_1283 : memref<1x64xi32, #tpu.memory_space<vmem>> -> memref<64xi32, #tpu.memory_space<vmem>>
        %dma_start3A_1285 = arith.constant 0 : i32
        %dma_start3A_1286 = arith.constant 0 : i32
        %dma_start3A_1287 = tpu.memref_slice %arg3[%dma_start3A_1285, %dma_start3A_1286] : memref<100000x128xf32, #tpu.memory_space<hbm>> -> memref<100000x128xf32, #tpu.memory_space<hbm>>
        tpu.enqueue_indirect_dma source(%dma_start3A_1287 : memref<100000x128xf32, #tpu.memory_space<hbm>>) target(%arg13 : memref<64x128xf32, #tpu.memory_space<vmem>>) offsets(%dma_start3A_1284 : memref<64xi32, #tpu.memory_space<vmem>>) semaphore(%arg23 : memref<!tpu.dma_semaphore, #tpu.memory_space<semaphore_mem>>)
      } else {
      }
      %add3A_1115 = arith.constant 8 : i32
      %add3A_1116 = arith.addi %mul3A_79, %add3A_1115 : i32
      %jit3A_1117 = arith.constant 2 : i32
      %div3A_1118 = arith.divsi %add3A_1116, %jit3A_1117 : i32
      %sign3A_1119 = arith.constant 0 : i32
      %sign3A_1120 = arith.cmpi sgt, %add3A_1116, %sign3A_1119 : i32
      %sign3A_1121 = arith.extui %sign3A_1120 : i1 to i32
      %sign3A_1122 = arith.constant 0 : i32
      %sign3A_1123 = arith.cmpi slt, %add3A_1116, %sign3A_1122 : i32
      %sign3A_1124 = arith.extui %sign3A_1123 : i1 to i32
      %sign3A_1125 = arith.subi %sign3A_1121, %sign3A_1124 : i32
      %sign3A_1126 = arith.constant 0 : i32
      %sign3A_1127 = arith.cmpi sgt, %jit3A_1117, %sign3A_1126 : i32
      %sign3A_1128 = arith.extui %sign3A_1127 : i1 to i32
      %sign3A_1129 = arith.constant 0 : i32
      %sign3A_1130 = arith.cmpi slt, %jit3A_1117, %sign3A_1129 : i32
      %sign3A_1131 = arith.extui %sign3A_1130 : i1 to i32
      %sign3A_1132 = arith.subi %sign3A_1128, %sign3A_1131 : i32
      %ne3A_1133 = arith.cmpi ne, %sign3A_1125, %sign3A_1132 : i32
      %rem3A_1134 = arith.remsi %add3A_1116, %jit3A_1117 : i32
      %ne3A_1135 = arith.constant 0 : i32
      %ne3A_1136 = arith.cmpi ne, %rem3A_1134, %ne3A_1135 : i32
      %and3A_1137 = arith.andi %ne3A_1133, %ne3A_1136 : i1
      %sub3A_1138 = arith.constant 1 : i32
      %sub3A_1139 = arith.subi %div3A_1118, %sub3A_1138 : i32
      %select_n3A_1140 = arith.select %and3A_1137, %sub3A_1139, %div3A_1118 : i32
      %mul3A_1141 = arith.constant 4096 : i32
      %mul3A_1142 = arith.muli %select_n3A_1140, %mul3A_1141 : i32
      %add3A_1143 = arith.addi %mul3A_1142, %mul3A_2 : i32
      %jit3A_1144 = arith.constant 2 : i32
      %eq3A_1145 = arith.constant 0 : i32
      %eq3A_1146 = arith.cmpi eq, %jit3A_1144, %eq3A_1145 : i32
      %jit3A_1147 = arith.constant 1 : i32
      %select_n3A_1148 = arith.select %eq3A_1146, %jit3A_1147, %jit3A_1144 : i32
      %rem3A_1149 = arith.remsi %add3A_1116, %select_n3A_1148 : i32
      %ne3A_1150 = arith.constant 0 : i32
      %ne3A_1151 = arith.cmpi ne, %rem3A_1149, %ne3A_1150 : i32
      %lt3A_1152 = arith.constant 0 : i32
      %lt3A_1153 = arith.cmpi slt, %rem3A_1149, %lt3A_1152 : i32
      %lt3A_1154 = arith.constant 0 : i32
      %lt3A_1155 = arith.cmpi slt, %select_n3A_1148, %lt3A_1154 : i32
      %ne3A_1156 = arith.xori %lt3A_1153, %lt3A_1155 : i1
      %and3A_1157 = arith.andi %ne3A_1156, %ne3A_1151 : i1
      %add3A_1158 = arith.addi %rem3A_1149, %select_n3A_1148 : i32
      %select_n3A_1159 = arith.select %and3A_1157, %add3A_1158, %rem3A_1149 : i32
      %mul3A_1160 = arith.constant 64 : i32
      %mul3A_1161 = arith.muli %select_n3A_1159, %mul3A_1160 : i32
      %add3A_1162 = arith.addi %add3A_1143, %mul3A_1161 : i32
      %dma_wait3A_1163 = arith.constant 0 : i32
      %dma_wait3A_1164 = tpu.memref_slice %arg4[%add3A_1162, %dma_wait3A_1163] : memref<204800x128xf32, #tpu.memory_space<hbm>> -> memref<64x128xf32, #tpu.memory_space<hbm>>
      %dma_wait3A_1165 = arith.constant 0 : i32
      %dma_wait3A_1166 = tpu.memref_slice %arg4[%add3A_1162, %dma_wait3A_1165] : memref<204800x128xf32, #tpu.memory_space<hbm>> -> memref<64x128xf32, #tpu.memory_space<hbm>>
      tpu.wait_dma2 semaphore(%arg34 : memref<!tpu.dma_semaphore, #tpu.memory_space<semaphore_mem>>) src(%arg14 : memref<64x128xf32, #tpu.memory_space<vmem>>) dst(%dma_wait3A_1166 : memref<64x128xf32, #tpu.memory_space<hbm>>)
      %add3A_1167 = arith.constant 8 : i32
      %add3A_1168 = arith.addi %mul3A_79, %add3A_1167 : i32
      %add3A_1169 = arith.constant 10 : i32
      %add3A_1170 = arith.addi %add3A_1168, %add3A_1169 : i32
      %lt3A_1171 = arith.constant 100 : i32
      %lt3A_1172 = arith.cmpi slt, %add3A_1170, %lt3A_1171 : i32
      %convert_element_type3A_1173 = arith.extui %lt3A_1172 : i1 to i32
      %cond3A_1174 = arith.constant 0 : i32
      %cond3A_1175 = arith.cmpi ne, %convert_element_type3A_1173, %cond3A_1174 : i32
      scf.if %cond3A_1175 {
        %add3A_1237 = arith.constant 8 : i32
        %add3A_1238 = arith.addi %mul3A_79, %add3A_1237 : i32
        %add3A_1239 = arith.constant 10 : i32
        %add3A_1240 = arith.addi %add3A_1238, %add3A_1239 : i32
        %jit3A_1241 = arith.constant 2 : i32
        %div3A_1242 = arith.divsi %add3A_1240, %jit3A_1241 : i32
        %sign3A_1243 = arith.constant 0 : i32
        %sign3A_1244 = arith.cmpi sgt, %add3A_1240, %sign3A_1243 : i32
        %sign3A_1245 = arith.extui %sign3A_1244 : i1 to i32
        %sign3A_1246 = arith.constant 0 : i32
        %sign3A_1247 = arith.cmpi slt, %add3A_1240, %sign3A_1246 : i32
        %sign3A_1248 = arith.extui %sign3A_1247 : i1 to i32
        %sign3A_1249 = arith.subi %sign3A_1245, %sign3A_1248 : i32
        %sign3A_1250 = arith.constant 0 : i32
        %sign3A_1251 = arith.cmpi sgt, %jit3A_1241, %sign3A_1250 : i32
        %sign3A_1252 = arith.extui %sign3A_1251 : i1 to i32
        %sign3A_1253 = arith.constant 0 : i32
        %sign3A_1254 = arith.cmpi slt, %jit3A_1241, %sign3A_1253 : i32
        %sign3A_1255 = arith.extui %sign3A_1254 : i1 to i32
        %sign3A_1256 = arith.subi %sign3A_1252, %sign3A_1255 : i32
        %ne3A_1257 = arith.cmpi ne, %sign3A_1249, %sign3A_1256 : i32
        %rem3A_1258 = arith.remsi %add3A_1240, %jit3A_1241 : i32
        %ne3A_1259 = arith.constant 0 : i32
        %ne3A_1260 = arith.cmpi ne, %rem3A_1258, %ne3A_1259 : i32
        %and3A_1261 = arith.andi %ne3A_1257, %ne3A_1260 : i1
        %sub3A_1262 = arith.constant 1 : i32
        %sub3A_1263 = arith.subi %div3A_1242, %sub3A_1262 : i32
        %select_n3A_1264 = arith.select %and3A_1261, %sub3A_1263, %div3A_1242 : i32
        %jit3A_1265 = arith.constant 2 : i32
        %eq3A_1266 = arith.constant 0 : i32
        %eq3A_1267 = arith.cmpi eq, %jit3A_1265, %eq3A_1266 : i32
        %jit3A_1268 = arith.constant 1 : i32
        %select_n3A_1269 = arith.select %eq3A_1267, %jit3A_1268, %jit3A_1265 : i32
        %rem3A_1270 = arith.remsi %add3A_1240, %select_n3A_1269 : i32
        %ne3A_1271 = arith.constant 0 : i32
        %ne3A_1272 = arith.cmpi ne, %rem3A_1270, %ne3A_1271 : i32
        %lt3A_1273 = arith.constant 0 : i32
        %lt3A_1274 = arith.cmpi slt, %rem3A_1270, %lt3A_1273 : i32
        %lt3A_1275 = arith.constant 0 : i32
        %lt3A_1276 = arith.cmpi slt, %select_n3A_1269, %lt3A_1275 : i32
        %ne3A_1277 = arith.xori %lt3A_1274, %lt3A_1276 : i1
        %and3A_1278 = arith.andi %ne3A_1277, %ne3A_1272 : i1
        %add3A_1279 = arith.addi %rem3A_1270, %select_n3A_1269 : i32
        %select_n3A_1280 = arith.select %and3A_1278, %add3A_1279, %rem3A_1270 : i32
        %mul3A_1281 = arith.constant 64 : i32
        %mul3A_1282 = arith.muli %select_n3A_1280, %mul3A_1281 : i32
        %dma_start3A_1283 = tpu.memref_slice %arg5[%select_n3A_1264, %mul3A_1282] : memref<50x128xi32, #tpu.memory_space<vmem>> -> memref<1x64xi32, #tpu.memory_space<vmem>>
        %dma_start3A_1284 = tpu.memref_squeeze %dma_start3A_1283 : memref<1x64xi32, #tpu.memory_space<vmem>> -> memref<64xi32, #tpu.memory_space<vmem>>
        %dma_start3A_1285 = arith.constant 0 : i32
        %dma_start3A_1286 = arith.constant 0 : i32
        %dma_start3A_1287 = tpu.memref_slice %arg3[%dma_start3A_1285, %dma_start3A_1286] : memref<100000x128xf32, #tpu.memory_space<hbm>> -> memref<100000x128xf32, #tpu.memory_space<hbm>>
        tpu.enqueue_indirect_dma source(%dma_start3A_1287 : memref<100000x128xf32, #tpu.memory_space<hbm>>) target(%arg14 : memref<64x128xf32, #tpu.memory_space<vmem>>) offsets(%dma_start3A_1284 : memref<64xi32, #tpu.memory_space<vmem>>) semaphore(%arg24 : memref<!tpu.dma_semaphore, #tpu.memory_space<semaphore_mem>>)
      } else {
      }
      %add3A_1176 = arith.constant 9 : i32
      %add3A_1177 = arith.addi %mul3A_79, %add3A_1176 : i32
      %jit3A_1178 = arith.constant 2 : i32
      %div3A_1179 = arith.divsi %add3A_1177, %jit3A_1178 : i32
      %sign3A_1180 = arith.constant 0 : i32
      %sign3A_1181 = arith.cmpi sgt, %add3A_1177, %sign3A_1180 : i32
      %sign3A_1182 = arith.extui %sign3A_1181 : i1 to i32
      %sign3A_1183 = arith.constant 0 : i32
      %sign3A_1184 = arith.cmpi slt, %add3A_1177, %sign3A_1183 : i32
      %sign3A_1185 = arith.extui %sign3A_1184 : i1 to i32
      %sign3A_1186 = arith.subi %sign3A_1182, %sign3A_1185 : i32
      %sign3A_1187 = arith.constant 0 : i32
      %sign3A_1188 = arith.cmpi sgt, %jit3A_1178, %sign3A_1187 : i32
      %sign3A_1189 = arith.extui %sign3A_1188 : i1 to i32
      %sign3A_1190 = arith.constant 0 : i32
      %sign3A_1191 = arith.cmpi slt, %jit3A_1178, %sign3A_1190 : i32
      %sign3A_1192 = arith.extui %sign3A_1191 : i1 to i32
      %sign3A_1193 = arith.subi %sign3A_1189, %sign3A_1192 : i32
      %ne3A_1194 = arith.cmpi ne, %sign3A_1186, %sign3A_1193 : i32
      %rem3A_1195 = arith.remsi %add3A_1177, %jit3A_1178 : i32
      %ne3A_1196 = arith.constant 0 : i32
      %ne3A_1197 = arith.cmpi ne, %rem3A_1195, %ne3A_1196 : i32
      %and3A_1198 = arith.andi %ne3A_1194, %ne3A_1197 : i1
      %sub3A_1199 = arith.constant 1 : i32
      %sub3A_1200 = arith.subi %div3A_1179, %sub3A_1199 : i32
      %select_n3A_1201 = arith.select %and3A_1198, %sub3A_1200, %div3A_1179 : i32
      %mul3A_1202 = arith.constant 4096 : i32
      %mul3A_1203 = arith.muli %select_n3A_1201, %mul3A_1202 : i32
      %add3A_1204 = arith.addi %mul3A_1203, %mul3A_2 : i32
      %jit3A_1205 = arith.constant 2 : i32
      %eq3A_1206 = arith.constant 0 : i32
      %eq3A_1207 = arith.cmpi eq, %jit3A_1205, %eq3A_1206 : i32
      %jit3A_1208 = arith.constant 1 : i32
      %select_n3A_1209 = arith.select %eq3A_1207, %jit3A_1208, %jit3A_1205 : i32
      %rem3A_1210 = arith.remsi %add3A_1177, %select_n3A_1209 : i32
      %ne3A_1211 = arith.constant 0 : i32
      %ne3A_1212 = arith.cmpi ne, %rem3A_1210, %ne3A_1211 : i32
      %lt3A_1213 = arith.constant 0 : i32
      %lt3A_1214 = arith.cmpi slt, %rem3A_1210, %lt3A_1213 : i32
      %lt3A_1215 = arith.constant 0 : i32
      %lt3A_1216 = arith.cmpi slt, %select_n3A_1209, %lt3A_1215 : i32
      %ne3A_1217 = arith.xori %lt3A_1214, %lt3A_1216 : i1
      %and3A_1218 = arith.andi %ne3A_1217, %ne3A_1212 : i1
      %add3A_1219 = arith.addi %rem3A_1210, %select_n3A_1209 : i32
      %select_n3A_1220 = arith.select %and3A_1218, %add3A_1219, %rem3A_1210 : i32
      %mul3A_1221 = arith.constant 64 : i32
      %mul3A_1222 = arith.muli %select_n3A_1220, %mul3A_1221 : i32
      %add3A_1223 = arith.addi %add3A_1204, %mul3A_1222 : i32
      %dma_wait3A_1224 = arith.constant 0 : i32
      %dma_wait3A_1225 = tpu.memref_slice %arg4[%add3A_1223, %dma_wait3A_1224] : memref<204800x128xf32, #tpu.memory_space<hbm>> -> memref<64x128xf32, #tpu.memory_space<hbm>>
      %dma_wait3A_1226 = arith.constant 0 : i32
      %dma_wait3A_1227 = tpu.memref_slice %arg4[%add3A_1223, %dma_wait3A_1226] : memref<204800x128xf32, #tpu.memory_space<hbm>> -> memref<64x128xf32, #tpu.memory_space<hbm>>
      tpu.wait_dma2 semaphore(%arg35 : memref<!tpu.dma_semaphore, #tpu.memory_space<semaphore_mem>>) src(%arg15 : memref<64x128xf32, #tpu.memory_space<vmem>>) dst(%dma_wait3A_1227 : memref<64x128xf32, #tpu.memory_space<hbm>>)
      %add3A_1228 = arith.constant 9 : i32
      %add3A_1229 = arith.addi %mul3A_79, %add3A_1228 : i32
      %add3A_1230 = arith.constant 10 : i32
      %add3A_1231 = arith.addi %add3A_1229, %add3A_1230 : i32
      %lt3A_1232 = arith.constant 100 : i32
      %lt3A_1233 = arith.cmpi slt, %add3A_1231, %lt3A_1232 : i32
      %convert_element_type3A_1234 = arith.extui %lt3A_1233 : i1 to i32
      %cond3A_1235 = arith.constant 0 : i32
      %cond3A_1236 = arith.cmpi ne, %convert_element_type3A_1234, %cond3A_1235 : i32
      scf.if %cond3A_1236 {
        %add3A_1237 = arith.constant 9 : i32
        %add3A_1238 = arith.addi %mul3A_79, %add3A_1237 : i32
        %add3A_1239 = arith.constant 10 : i32
        %add3A_1240 = arith.addi %add3A_1238, %add3A_1239 : i32
        %jit3A_1241 = arith.constant 2 : i32
        %div3A_1242 = arith.divsi %add3A_1240, %jit3A_1241 : i32
        %sign3A_1243 = arith.constant 0 : i32
        %sign3A_1244 = arith.cmpi sgt, %add3A_1240, %sign3A_1243 : i32
        %sign3A_1245 = arith.extui %sign3A_1244 : i1 to i32
        %sign3A_1246 = arith.constant 0 : i32
        %sign3A_1247 = arith.cmpi slt, %add3A_1240, %sign3A_1246 : i32
        %sign3A_1248 = arith.extui %sign3A_1247 : i1 to i32
        %sign3A_1249 = arith.subi %sign3A_1245, %sign3A_1248 : i32
        %sign3A_1250 = arith.constant 0 : i32
        %sign3A_1251 = arith.cmpi sgt, %jit3A_1241, %sign3A_1250 : i32
        %sign3A_1252 = arith.extui %sign3A_1251 : i1 to i32
        %sign3A_1253 = arith.constant 0 : i32
        %sign3A_1254 = arith.cmpi slt, %jit3A_1241, %sign3A_1253 : i32
        %sign3A_1255 = arith.extui %sign3A_1254 : i1 to i32
        %sign3A_1256 = arith.subi %sign3A_1252, %sign3A_1255 : i32
        %ne3A_1257 = arith.cmpi ne, %sign3A_1249, %sign3A_1256 : i32
        %rem3A_1258 = arith.remsi %add3A_1240, %jit3A_1241 : i32
        %ne3A_1259 = arith.constant 0 : i32
        %ne3A_1260 = arith.cmpi ne, %rem3A_1258, %ne3A_1259 : i32
        %and3A_1261 = arith.andi %ne3A_1257, %ne3A_1260 : i1
        %sub3A_1262 = arith.constant 1 : i32
        %sub3A_1263 = arith.subi %div3A_1242, %sub3A_1262 : i32
        %select_n3A_1264 = arith.select %and3A_1261, %sub3A_1263, %div3A_1242 : i32
        %jit3A_1265 = arith.constant 2 : i32
        %eq3A_1266 = arith.constant 0 : i32
        %eq3A_1267 = arith.cmpi eq, %jit3A_1265, %eq3A_1266 : i32
        %jit3A_1268 = arith.constant 1 : i32
        %select_n3A_1269 = arith.select %eq3A_1267, %jit3A_1268, %jit3A_1265 : i32
        %rem3A_1270 = arith.remsi %add3A_1240, %select_n3A_1269 : i32
        %ne3A_1271 = arith.constant 0 : i32
        %ne3A_1272 = arith.cmpi ne, %rem3A_1270, %ne3A_1271 : i32
        %lt3A_1273 = arith.constant 0 : i32
        %lt3A_1274 = arith.cmpi slt, %rem3A_1270, %lt3A_1273 : i32
        %lt3A_1275 = arith.constant 0 : i32
        %lt3A_1276 = arith.cmpi slt, %select_n3A_1269, %lt3A_1275 : i32
        %ne3A_1277 = arith.xori %lt3A_1274, %lt3A_1276 : i1
        %and3A_1278 = arith.andi %ne3A_1277, %ne3A_1272 : i1
        %add3A_1279 = arith.addi %rem3A_1270, %select_n3A_1269 : i32
        %select_n3A_1280 = arith.select %and3A_1278, %add3A_1279, %rem3A_1270 : i32
        %mul3A_1281 = arith.constant 64 : i32
        %mul3A_1282 = arith.muli %select_n3A_1280, %mul3A_1281 : i32
        %dma_start3A_1283 = tpu.memref_slice %arg5[%select_n3A_1264, %mul3A_1282] : memref<50x128xi32, #tpu.memory_space<vmem>> -> memref<1x64xi32, #tpu.memory_space<vmem>>
        %dma_start3A_1284 = tpu.memref_squeeze %dma_start3A_1283 : memref<1x64xi32, #tpu.memory_space<vmem>> -> memref<64xi32, #tpu.memory_space<vmem>>
        %dma_start3A_1285 = arith.constant 0 : i32
        %dma_start3A_1286 = arith.constant 0 : i32
        %dma_start3A_1287 = tpu.memref_slice %arg3[%dma_start3A_1285, %dma_start3A_1286] : memref<100000x128xf32, #tpu.memory_space<hbm>> -> memref<100000x128xf32, #tpu.memory_space<hbm>>
        tpu.enqueue_indirect_dma source(%dma_start3A_1287 : memref<100000x128xf32, #tpu.memory_space<hbm>>) target(%arg15 : memref<64x128xf32, #tpu.memory_space<vmem>>) offsets(%dma_start3A_1284 : memref<64xi32, #tpu.memory_space<vmem>>) semaphore(%arg25 : memref<!tpu.dma_semaphore, #tpu.memory_space<semaphore_mem>>)
      } else {
      }
    }
    %scan3A_76 = arith.constant 10 : i32
    return
  }
}

</mosaic_0001>

<sc_bundles>
// kernel: kernel.3.cloned.1.call-start
scs
__scs_entry_jumppad:
0x0: {  	(pc) =	sbr.rel $0x88, $3  }
0x1: {  	(tag) =	ssettag $0x0;
	lr =	simm.s32 $0x1  }
0x2: {  	[smem:$0x3F9F] =	sst lr;
	_ =	strace $0xD0000000  }
0x3: {  	_ = 	snop  }
0x4: {  	_ = 	snop  }
0x5: {  	_ = 	snop  }
0x6: {  	_ = 	snop  }
0x7: {  	_ = 	snop  }
__scs_overlays_trampoline_lowered:
0x8: {  	[smem:$0x3FAE] =	sst s0  }
0x9: {  	[smem:$0x3FAF] =	sst s1  }
0xa: {  	[smem:$0x3FB0] =	sst s2  }
0xb: {  	[smem:$0x3FB1] =	sst s3  }
0xc: {  	[smem:$0x3FB2] =	sst s4  }
0xd: {  	[smem:$0x3FB3] =	sst s5  }
0xe: {  	[smem:$0x3FB4] =	sst s6  }
0xf: {  	[smem:$0x3FB5] =	sst s7  }
0x10: {  	[smem:$0x3FB6] =	sst s8  }
0x11: {  	[smem:$0x3FB7] =	sst s9;
	s0 =	simm.s32 @!p0 $0x0  }
0x12: {  	s1 =	sld [smem:$0x3F9D];
	s0 =	simm.s32 @p0 $0x1  }
0x13: {  	[smem:$0x3FB8] =	sst s0;
	s0 =	simm.s32 @!p1 $0x0  }
0x14: {  	s2 =	sld [smem:$0x3F9C];
	s0 =	simm.s32 @p1 $0x1  }
0x15: {  	[smem:$0x3FB9] =	sst s0;
	s0 =	simm.s32 @!p2 $0x0  }
0x16: {  	s3 =	sld [smem:$0x3FDB];
	s0 =	simm.s32 @p2 $0x1  }
0x17: {  	s4 =	simm.s32 $0x1BF5;
	[smem:$0x3FBB] =	sst s0  }
0x18: {  	s0 =	sld [smem:$0x3F9E];
	_ =	swait.ge [sflag:s4], $0x0  }
0x19: {  	s7 =	sld [smem:$0x3F9F]  }
0x1a: {  	s8 =	sadd.s32 $0xFFFFE003, lr  }
0x1b: {  	s9 =	sadd.s32 $0xFFFFFEF7, lr;
	s5 =	simm.s32 $0xFFFFFFFF;
	p2 =	slt.u32 s8, $0xFFFFF086  }
0x1c: {  	p1 =	slt.u32 s9, $0xF7A;
	s5 =	simm.s32 @!p2 $0x0  }
0x1d: {  	s5 =	simm.s32 @p1 $0x1;
	p0 =	seq.s32 s7, s2  }
0x1e: {  	s7 =	smul.u32 @!p0 $0xF7A, s2;
	p2 =	seq.s32 @!p0 s5, $0x0  }
0x1f: {  	s9 =	smul.u32 $0xF7A, s1;
	s8 =	simm.s32 @!p0 $0x1BF5;
	p2 =	por !p2, p0  }
0x20: {  	[sflag:s8] =	ssyncset.s32 @!p0 $0xFFFFF086;
	s6 =	sadd.s32 @!p0 s3, s7;
	s7 =	simm.s32 @!p0 $0x108  }
0x21: {  	s3 =	sadd.s32 s3, s9;
	s6 =	sadd.s32 @!p0 $0x88, s6;
	s7 =	simm.s32 @p2 $0x1082  }
0x22: {  	[simem:s7], [sflag:s8] =	dma.local @!p0 [hbm:s6], $0xF7A  }
0x23: {  	s9 =	sor.u32 $0xD0000000, s2;
	s6 =	simm.s32 $0x108;
	_ =	swait.ge @!p0 [sflag:s8], $0x0  }
0x24: {  	s3 =	sadd.s32 $0x88, s3;
	s6 =	simm.s32 @!p1 $0x1082;
	[sflag:s4] =	ssyncset.s32 $0xFFFFF086  }
0x25: {  	[simem:s6], [sflag:s4] =	dma.local [hbm:s3], $0xF7A  }
0x26: {  	[smem:$0x3F9F] =	sst s1;
	(tag) =	ssettag s2;
	_ =	strace s9  }
0x27: {  	s1 =	sld [smem:$0x3FAF]  }
0x28: {  	s2 =	sld [smem:$0x3FB0]  }
0x29: {  	s4 =	sld [smem:$0x3FB2]  }
0x2a: {  	p0 =	seq.s32 s5, $0x0;
	s5 =	sld [smem:$0x3FB3]  }
0x2b: {  	s6 =	sld [smem:$0x3FB4]  }
0x2c: {  	s7 =	sld [smem:$0x3FB5]  }
0x2d: {  	s3 =	simm.s32 $0x108;
	s8 =	sld [smem:$0x3FB6]  }
0x2e: {  	s3 =	simm.s32 @!p0 $0x1082;
	s9 =	sld [smem:$0x3FB7]  }
0x2f: {  	lr =	sadd.s32 s0, s3;
	s0 =	sld [smem:$0x3FAE]  }
0x30: {  	s3 =	sld [smem:$0x3FB1]  }
0x31: {  	[smem:$0x3FBA] =	sst s10  }
0x32: {  	s10 =	sld [smem:$0x3FB8];
	_ =	sdelay $0x3  }
0x33: {  	p0 =	seq.s32 s10, $0x1;
	s10 =	sld [smem:$0x3FBA];
	_ =	sdelay $0x3  }
0x34: {  	[smem:$0x3FBA] =	sst s10  }
0x35: {  	s10 =	sld [smem:$0x3FB9];
	_ =	sdelay $0x3  }
0x36: {  	p1 =	seq.s32 s10, $0x1;
	s10 =	sld [smem:$0x3FBA];
	_ =	sdelay $0x3  }
0x37: {  	[smem:$0x3FBA] =	sst s10  }
0x38: {  	s10 =	sld [smem:$0x3FBB]  }
0x39: {  	_ = 	snop;
	(pc) =	sbr.ind lr, $3  }
0x3a: {  	_ = 	snop  }
0x3b: {  	_ = 	snop  }
0x3c: {  	p2 =	seq.s32 s10, $0x1;
	s10 =	sld [smem:$0x3FBA]  }
0x3d: {  	_ =	shalt  }
0x3e: {  	_ =	shalt  }
0x3f: {  	_ =	shalt  }
0x40: {  	_ =	shalt  }
0x41: {  	_ =	shalt  }
0x42: {  	_ =	shalt  }
0x43: {  	_ =	shalt  }
0x44: {  	_ =	shalt  }
0x45: {  	_ =	shalt  }
0x46: {  	_ =	shalt  }
0x47: {  	_ =	shalt  }
0x48: {  	_ =	shalt  }
0x49: {  	_ =	shalt  }
0x4a: {  	_ =	shalt  }
0x4b: {  	_ =	shalt  }
0x4c: {  	_ =	shalt  }
0x4d: {  	_ =	shalt  }
0x4e: {  	_ =	shalt  }
0x4f: {  	_ =	shalt  }
0x50: {  	_ =	shalt  }
0x51: {  	_ =	shalt  }
0x52: {  	_ =	shalt  }
0x53: {  	_ =	shalt  }
0x54: {  	_ =	shalt  }
0x55: {  	_ =	shalt  }
0x56: {  	_ =	shalt  }
0x57: {  	_ =	shalt  }
0x58: {  	_ =	shalt  }
0x59: {  	_ =	shalt  }
0x5a: {  	_ =	shalt  }
0x5b: {  	_ =	shalt  }
0x5c: {  	_ =	shalt  }
0x5d: {  	_ =	shalt  }
0x5e: {  	_ =	shalt  }
0x5f: {  	_ =	shalt  }
0x60: {  	_ =	shalt  }
0x61: {  	_ =	shalt  }
0x62: {  	_ =	shalt  }
0x63: {  	_ =	shalt  }
0x64: {  	_ =	shalt  }
0x65: {  	_ =	shalt  }
0x66: {  	_ =	shalt  }
0x67: {  	_ =	shalt  }
0x68: {  	_ =	shalt  }
0x69: {  	_ =	shalt  }
0x6a: {  	_ =	shalt  }
0x6b: {  	_ =	shalt  }
0x6c: {  	_ =	shalt  }
0x6d: {  	_ =	shalt  }
0x6e: {  	_ =	shalt  }
0x6f: {  	_ =	shalt  }
0x70: {  	_ =	shalt  }
0x71: {  	_ =	shalt  }
0x72: {  	_ =	shalt  }
0x73: {  	_ =	shalt  }
0x74: {  	_ =	shalt  }
0x75: {  	_ =	shalt  }
0x76: {  	_ =	shalt  }
0x77: {  	_ =	shalt  }
0x78: {  	_ =	shalt  }
0x79: {  	_ =	shalt  }
0x7a: {  	_ =	shalt  }
0x7b: {  	_ =	shalt  }
0x7c: {  	_ =	shalt  }
0x7d: {  	_ =	shalt  }
0x7e: {  	_ =	shalt  }
0x7f: {  	_ =	shalt  }
0x80: {  	_ =	shalt  }
0x81: {  	_ =	shalt  }
0x82: {  	_ =	shalt  }
0x83: {  	_ =	shalt  }
0x84: {  	_ =	shalt  }
0x85: {  	_ =	shalt  }
0x86: {  	_ =	shalt  }
0x87: {  	_ =	shalt  }
.Lfunc_end0:
.L_simem_size_0:
called_computation_lowered:
.L_overlay_start_0:
0x88: {  	s2 =	sld [smem:$0x3FD9]  }
0x89: {  	s3 =	sld [smem:$0x3FFE];
	_ =	sdelay $0x1  }
0x8a: {  	s1 =	srdreg.scid  }
0x8b: {  	s0 =	sand.u32 $0x1, s1  }
0x8c: {  	s18 =	sshll.u32 s0, $0xA;
	s2 =	sadd.s32 s3, s2  }
0x8d: {  	s2 =	sadd.s32 s2, s18  }
0x8e: {  	[smem:$0x3FC6] =	sst s2  }
0x8f: {  	_ = 	snop  }
0x90: {  	s2 =	sld [smem:$0x3FC9]  }
0x91: {  	s19 =	sld [smem:$0x3FC8]  }
0x92: {  	s4 =	sld [smem:$0x3FD0];
	(tm) =	ssettm $0x1  }
0x93: {  	s5 =	sld [smem:$0x3FFB];
	_ =	sdelay $0x3  }
0x94: {  	_ =	strace s5  }
0x95: {  	s5 =	sld [smem:$0x3FFC];
	_ =	sdelay $0x3  }
0x96: {  	_ =	strace s5  }
0x97: {  	s5 =	sld [smem:$0x3FFD];
	_ =	sdelay $0x3  }
0x98: {  	_ =	strace s5  }
0x99: {  	_ =	strace $0x8FFFFFFF  }
0x9a: {  	s20 =	sld [smem:$0x3FDB];
	_ =	sdelay $0x1  }
0x9b: {  	s6 =	simm.s32 $_scs_section_size  }
0x9c: {  	s7 =	simm.s32 $_size__tile_overlayer_lowered;
	s8 =	simm.s32 $_tile_overlayer_lowered  }
0x9d: {  	s23 =	simm.s32 $0x1BFF;
	s22 =	sshll.u32 s8, $0x1;
	s5 =	sadd.s32 s6, s20  }
0x9e: {  	s9 =	simm.s32 $0x0;
	s21 =	sshll.u32 s7, $0x1;
	s7 =	sadd.s32 s22, s5  }
0x9f: {  	[timem:s9], [sflag:s23] =	dma.local [hbm:s7], s21  }
0xa0: {  	_ =	swait.ge [sflag:s23], s21  }
0xa1: {  	s6 =	ssub.s32 $0x0, s21;
	[sflag:s23] =	ssyncset.done $0x0  }
0xa2: {  	[sflag:s23] =	ssyncadd.s32 s6;
	_ =	sdelay $0x1  }
0xa3: {  	s24 =	simm.s32 $0x1B8B  }
0xa4: {  	_ =	swait.ge [sflag:s24], $0x1  }
0xa5: {  	[sflag:s24] =	ssyncset.done $0x0  }
0xa6: {  	s25 =	simm.s32 $0x1B8E;
	[sflag:s24] =	ssyncadd.s32 $0xFFFFFFFF  }
0xa7: {  	s26 =	simm.s32 $execute0_lowered;
	[smem:$0x3FD2] =	sst s25  }
0xa8: {  	s6 =	sshll.u32 s26, $0x1;
	_ =	strace $0x80000046;
	[dreg:$0x1] =	wrdreg $0xFFFFFFFF  }
0xa9: {  	s28 =	simm.s32 $_size_execute0_lowered;
	s5 =	sadd.s32 s5, s6;
	[dreg:$0x0] =	wrdreg $0x0  }
0xaa: {  	s6 =	sshll.u32 s28, $0x1;
	[dreg:$0x2] =	wrdreg s5  }
0xab: {  	[dreg:$0x3] =	wrdreg s6  }
0xac: {  	[dreg:$0x4] =	wrdreg $0xC0  }
0xad: {  	_ =	task [dreg:s9], $0x5FFFF  }
0xae: {  	[dreg:$0x1] =	wrdreg $0xFFFFFFFF  }
0xaf: {  	[dreg:$0x0] =	wrdreg $0x60  }
0xb0: {  	[dreg:$0x2] =	wrdreg s2  }
0xb1: {  	[dreg:$0x3] =	wrdreg s19  }
0xb2: {  	[dreg:$0x4] =	wrdreg s4  }
0xb3: {  	[dreg:$0x5] =	wrdreg $0x9  }
0xb4: {  	_ =	task.clear_ibuf [dreg:s9], $0x6FFFF;
	_ =	strace $0x90000046  }
0xb5: {  	s29 =	simm.s32 $0x9;
	_ =	strace $0x80000048  }
0xb6: {  	_ =	swait.ge [sflag:s29], $0x1  }
0xb7: {  	[sflag:s29] =	ssyncadd.s32 $0xFFFFFFFF  }
0xb8: {  	_ =	strace $0x90000048  }
0xb9: {  	_ =	sfence  }
0xba: {  	s30 =	sld [smem:$0x0];
	_ =	sdelay $0x2  }
0xbb: {  	s31 =	sshll.u32 s1, $0xD;
	s1 =	sshrl.u32 s1, $0x2  }
0xbc: {  	s3 =	sand.u32 $0x4000, s31;
	s1 =	sadd.s32 s1, s30  }
0xbd: {  	s0 =	sor.u32 s3, s0;
	s1 =	sshll.u32 s1, $0x11  }
0xbe: {  	s0 =	sor.u32 s1, s0  }
0xbf: {  	s0 =	sadd.s32 $0x8F2B, s0  }
0xc0: {  	[sflag:s0] =	ssyncadd.remote.s32 $0x1  }
0xc1: {  	_ =	sfence.sel $0xFFFF  }
0xc2: {  	[dreg:$0x0] =	wrdreg $0xFFFFFFFF;
	(pc) =	sbr.abs _section_cstart, $3  }
0xc3: {  	[dreg:$0x1] =	wrdreg $0xFFFFFFFF  }
0xc4: {  	_ =	task.clear_ibuf [dreg:s9], $0x2FFFF;
	_ =	strace $0x9FFFFFFF  }
0xc5: {  	(tm) =	ssettm $0x7FFFFFFF  }
tec
execute0_lowered:
.L_overlay_start_1:
0x0: {  	(tag) =	ssettag $0x1  }
0x1: {  	s0 =	rddreg [dreg:$0x0]  }
0x2: {  	s1 =	rddreg [dreg:$0x1]  }
0x3: {  	s3 =	simm.s32 $0x0;
	s2 =	srdreg.scid;
	s9 =	stileid.u32  }
0x4: {  	s29 =	simm.s32 $0x1C00;
	s14 =	simm.s32 $0x5C00;
	s28 =	simm.s32 $0xFC00  }
0x5: {  	s31 =	simm.s32 $0x11C00;
	s30 =	simm.s32 $0x5;
	s10 =	simm.s32 $0xF  }
0x6: {  	s11 =	simm.s32 $0x10;
	s12 =	simm.s32 $0x11;
	s13 =	simm.s32 $0x12  }
0x7: {  	[smem:$0x7FF] =	sst s3;
	s2 =	sand.u32 $0x1, s2;
	s6 =	sshll.u32 s9, $0x8  }
0x8: {  	s15 =	sshll.u32 s9, $0xF;
	s19 =	sshll.u32 s9, $0xC;
	s9 =	simm.s32 $0xE  }
0x9: {  	_ =	strace $0x80000047;
	s4 =	ssub.s32 $0x2, s2;
	s7 =	sshll.u32 s2, $0x7  }
0xa: {  	s8 =	sshll.u32 s2, $0xE;
	s2 =	sshll.u32 s2, $0xB;
	s5 =	sshrl.u32 s4, $0x1  }
0xb: {  	s6 =	sor.u32 s7, s6;
	s17 =	sor.u32 s8, s15;
	s2 =	sor.u32 s2, s19  }
0xc: {  	s15 =	simm.s32 $0x8;
	s7 =	simm.s32 $0xA;
	s8 =	simm.s32 $0xD  }
0xd: {  	s19 =	simm.s32 $0x13;
	s4 =	ssub.s32 s4, s5;
	s16 =	sadd.s32 s0, s6  }
0xe: {  	s18 =	sor.u32 $0x200000, s17;
	[dreg:$0x7] =	wrdreg s2;
	s21 =	sor.u32 $0x180000, s17  }
0xf: {  	s22 =	sor.u32 $0x100000, s17;
	s23 =	sor.u32 $0x80000, s17;
	s0 =	sshrl.u32 s17, $0x3  }
0x10: {  	s6 =	simm.s32 $0x9;
	s17 =	simm.s32 $0xC;
	[dreg:$0x4] =	wrdreg s16  }
0x11: {  	s5 =	sadd.s32 $0x6000, s16;
	s4 =	smax.u32 s4, $0x1;
	s2 =	sshrl.u32 s21, $0x3  }
0x12: {  	s24 =	sshrl.u32 s22, $0x3;
	s25 =	sshrl.u32 s23, $0x3;
	s0 =	sor.u32 $0x400, s0  }
0x13: {  	s16 =	simm.s32 $0x7C00;
	s21 =	simm.s32 $0x9C00;
	[dreg:$0x5] =	wrdreg s5  }
0x14: {  	s23 =	simm.s32 $0xBC00;
	[dreg:$0x6] =	wrdreg s4;
	s4 =	sshrl.u32 s18, $0x3  }
0x15: {  	s2 =	sor.u32 $0x400, s2;
	s26 =	sor.u32 $0x400, s25;
	[dreg:$0xc] =	wrdreg s0  }
.Ltmp0:
0x16: {  	s18 =	simm.s32 $0x40;
	s25 =	simm.s32 $0xDC00;
	(pc) =	sbr.rel .LBB2_1-.Ltmp0, $4  }
0x17: {  	s0 =	simm.s32 $0x6;
	s5 =	simm.s32 $0xB;
	[dreg:$0x9] =	wrdreg s2  }
0x18: {  	s20 =	sor.u32 $0x400, s4;
	s2 =	sor.u32 $0x400, s24;
	[dreg:$0xb] =	wrdreg s26  }
0x19: {  	s4 =	simm.s32 $0x3C00;
	s24 =	simm.s32 $0x0;
	[dreg:$0x8] =	wrdreg s20  }
0x1a: {  	[dreg:$0xa] =	wrdreg s2;
	s2 =	simm.s32 $0x7;
	s20 =	simm.s32 $0x14  }
.LBB2_4:
0x1b: {  	_ =	swait.ge [sflag:s17], $0x2000  }
0x1c: {  	[sflag:s17] =	ssyncset.done $0x0  }
0x1d: {  	[sflag:s17] =	ssyncadd.s32 $0xFFFFE000  }
0x1e: {  	_ =	swait.ge [sflag:s8], $0x2000  }
0x1f: {  	[sflag:s8] =	ssyncset.done $0x0  }
0x20: {  	[sflag:s8] =	ssyncadd.s32 $0xFFFFE000  }
0x21: {  	_ =	swait.ge [sflag:s9], $0x2000  }
0x22: {  	[sflag:s9] =	ssyncset.done $0x0  }
0x23: {  	[sflag:s9] =	ssyncadd.s32 $0xFFFFE000  }
0x24: {  	_ =	swait.ge [sflag:s10], $0x2000  }
0x25: {  	[sflag:s10] =	ssyncset.done $0x0  }
0x26: {  	[sflag:s10] =	ssyncadd.s32 $0xFFFFE000  }
0x27: {  	_ =	swait.ge [sflag:s11], $0x2000  }
0x28: {  	[sflag:s11] =	ssyncset.done $0x0  }
0x29: {  	[sflag:s11] =	ssyncadd.s32 $0xFFFFE000  }
0x2a: {  	_ =	swait.ge [sflag:s12], $0x2000  }
0x2b: {  	[sflag:s12] =	ssyncset.done $0x0  }
0x2c: {  	[sflag:s12] =	ssyncadd.s32 $0xFFFFE000  }
0x2d: {  	_ =	swait.ge [sflag:s13], $0x2000  }
0x2e: {  	[sflag:s13] =	ssyncset.done $0x0  }
0x2f: {  	[sflag:s13] =	ssyncadd.s32 $0xFFFFE000  }
0x30: {  	_ =	swait.ge [sflag:s19], $0x2000  }
0x31: {  	[sflag:s19] =	ssyncset.done $0x0  }
0x32: {  	[sflag:s19] =	ssyncadd.s32 $0xFFFFE000  }
0x33: {  	_ =	swait.ge [sflag:s20], $0x2000  }
0x34: {  	s24 =	rddreg [dreg:$0xd]  }
0x35: {  	s22 =	rddreg [dreg:$0x6];
	s24 =	sadd.s32 $0x1, s24  }
0x36: {  	p0 =	sne.s32 s24, s22  }
.Ltmp1:
0x37: {  	_ = 	snop;
	(pc) =	sbr.rel @!p0 .LBB2_5-.Ltmp1, $4  }
0x38: {  	s29 =	simm.s32 $0x1C00;
	s4 =	simm.s32 $0x3C00  }
0x39: {  	s14 =	simm.s32 $0x5C00;
	s16 =	simm.s32 $0x7C00;
	s21 =	simm.s32 $0x9C00  }
0x3a: {  	s23 =	simm.s32 $0xBC00;
	s25 =	simm.s32 $0xDC00;
	[sflag:s20] =	ssyncset.done $0x0  }
0x3b: {  	s28 =	simm.s32 $0xFC00;
	s31 =	simm.s32 $0x11C00;
	[sflag:s20] =	ssyncadd.s32 $0xFFFFE000  }
.LBB2_1:
0x3c: {  	[dreg:$0xd] =	wrdreg s24  }
0x3d: {  	s22 =	rddreg [dreg:$0x4];
	s24 =	simm.s32 $0x400;
	s26 =	simm.s32 $0x8000  }
0x3e: {  	[tilespmem:s3], [sflag:$0x15] =	stream.strided.gather [hbm4b:s22+s24], $0x1800, s26, s24, $0x38;
	[tilespmem:$0x15C00] =	vst v63  }
0x3f: {  	s24 =	rddreg [dreg:$0x5];
	s26 =	simm.s32 $0x1800  }
0x40: {  	[tilespmem:s26], [sflag:$0x15] =	stream.linear.gather [hbm4b:s24+s3], $0x100, $0x38;
	[tilespmem:$0x15C00] =	vst v63  }
0x41: {  	s24 =	simm.s32 $0x15  }
0x42: {  	_ =	swait.ge [sflag:s24], $0x1900  }
0x43: {  	[sflag:s24] =	ssyncset.done $0x0  }
0x44: {  	[sflag:s24] =	ssyncadd.s32 $0xFFFFE700  }
0x45: {  	[tilespmem:s29], [sflag:$0x1] =	stream.indirect.gather [hbm4b:s1+s18], $0x80, s3, s18, $0xb8;
	[tilespmem:$0x15C00] =	vst v63  }
0x46: {  	_ = 	snop  }
0x47: {  	[tilespmem:s4], [sflag:$0x2] =	stream.indirect.gather [hbm4b:s1+s18], $0x80, s18, s18, $0xb8;
	[tilespmem:$0x15C00] =	vst v63  }
0x48: {  	s26 =	simm.s32 $0x80  }
0x49: {  	[tilespmem:s14], [sflag:$0x3] =	stream.indirect.gather [hbm4b:s1+s18], $0x80, s26, s18, $0xb8;
	[tilespmem:$0x15C00] =	vst v63  }
0x4a: {  	s14 =	simm.s32 $0xC0  }
0x4b: {  	[tilespmem:s16], [sflag:$0x4] =	stream.indirect.gather [hbm4b:s1+s18], $0x80, s14, s18, $0xb8;
	[tilespmem:$0x15C00] =	vst v63  }
0x4c: {  	s16 =	simm.s32 $0x100  }
0x4d: {  	[tilespmem:s21], [sflag:$0x5] =	stream.indirect.gather [hbm4b:s1+s18], $0x80, s16, s18, $0xb8;
	[tilespmem:$0x15C00] =	vst v63  }
0x4e: {  	s22 =	simm.s32 $0x140;
	s24 =	simm.s32 $0x1C0  }
0x4f: {  	[tilespmem:s23], [sflag:$0x6] =	stream.indirect.gather [hbm4b:s1+s18], $0x80, s22, s18, $0xb8;
	[tilespmem:$0x15C00] =	vst v63  }
0x50: {  	s4 =	simm.s32 $0x11C00;
	s26 =	simm.s32 $0x240;
	s23 =	simm.s32 $0x180  }
0x51: {  	[tilespmem:s25], [sflag:$0x7] =	stream.indirect.gather [hbm4b:s1+s18], $0x80, s23, s18, $0xb8;
	[tilespmem:$0x15C00] =	vst v63  }
0x52: {  	s16 =	simm.s32 $0x7C00;
	s21 =	simm.s32 $0x9C00;
	s22 =	rddreg [dreg:$0x2]  }
0x53: {  	[tilespmem:s28], [sflag:$0x8] =	stream.indirect.gather [hbm4b:s1+s18], $0x80, s24, s18, $0xb8;
	[tilespmem:$0x15C00] =	vst v63  }
0x54: {  	s25 =	simm.s32 $0x200;
	s23 =	simm.s32 $0xBC00;
	s24 =	simm.s32 $0x0  }
0x55: {  	[tilespmem:s31], [sflag:$0x9] =	stream.indirect.gather [hbm4b:s1+s18], $0x80, s25, s18, $0xb8;
	[tilespmem:$0x15C00] =	vst v63  }
0x56: {  	s28 =	simm.s32 $0xFC00;
	s31 =	simm.s32 $0x13C00;
	s25 =	simm.s32 $0xDC00  }
0x57: {  	[tilespmem:s31], [sflag:$0xA] =	stream.indirect.gather [hbm4b:s1+s18], $0x80, s26, s18, $0xb8;
	[tilespmem:$0x15C00] =	vst v63  }
.LBB2_2:
0x58: {  	s26 =	simm.s32 $0x1  }
0x59: {  	_ =	swait.ge [sflag:s26], $0x2000  }
0x5a: {  	[sflag:s26] =	ssyncset.done $0x0;
	s14 =	rddreg [dreg:$0x7]  }
0x5b: {  	[sflag:s26] =	ssyncadd.s32 $0xFFFFE000;
	s26 =	sadd.s32 s22, s14;
	s14 =	simm.s32 $0x2  }
0x5c: {  	[hbm4b:s26+s3] =	stream.linear.scatter [tilespmem:s29], [sflag:$0xB], $0x2000, $0x38;
	[tilespmem:$0x15C00] =	vst v63  }
0x5d: {  	_ =	swait.ge [sflag:s14], $0x2000  }
0x5e: {  	[sflag:s14] =	ssyncset.done $0x0  }
0x5f: {  	[sflag:s14] =	ssyncadd.s32 $0xFFFFE000;
	s14 =	rddreg [dreg:$0xc]  }
0x60: {  	s29 =	sadd.s32 s22, s14;
	s14 =	simm.s32 $0x3C00  }
0x61: {  	[hbm4b:s29+s3] =	stream.linear.scatter [tilespmem:s14], [sflag:$0xC], $0x2000, $0x38;
	[tilespmem:$0x15C00] =	vst v63  }
0x62: {  	s14 =	simm.s32 $0x3  }
0x63: {  	_ =	swait.ge [sflag:s14], $0x2000  }
0x64: {  	[sflag:s14] =	ssyncset.done $0x0  }
0x65: {  	s29 =	sadd.s32 $0x10000, s26;
	[sflag:s14] =	ssyncadd.s32 $0xFFFFE000;
	s14 =	simm.s32 $0x5C00  }
0x66: {  	[hbm4b:s29+s3] =	stream.linear.scatter [tilespmem:s14], [sflag:$0xD], $0x2000, $0x38;
	[tilespmem:$0x15C00] =	vst v63  }
0x67: {  	s14 =	simm.s32 $0x4  }
0x68: {  	_ =	swait.ge [sflag:s14], $0x2000  }
0x69: {  	[sflag:s14] =	ssyncset.done $0x0  }
0x6a: {  	[sflag:s14] =	ssyncadd.s32 $0xFFFFE000;
	s14 =	rddreg [dreg:$0xb]  }
0x6b: {  	s29 =	sadd.s32 s22, s14  }
0x6c: {  	[hbm4b:s29+s3] =	stream.linear.scatter [tilespmem:s16], [sflag:$0xE], $0x2000, $0x38;
	[tilespmem:$0x15C00] =	vst v63  }
0x6d: {  	_ =	swait.ge [sflag:s30], $0x2000  }
0x6e: {  	[sflag:s30] =	ssyncset.done $0x0  }
0x6f: {  	s14 =	sadd.s32 $0x20000, s26;
	[sflag:s30] =	ssyncadd.s32 $0xFFFFE000  }
0x70: {  	[hbm4b:s14+s3] =	stream.linear.scatter [tilespmem:s21], [sflag:$0xF], $0x2000, $0x38;
	[tilespmem:$0x15C00] =	vst v63  }
0x71: {  	_ =	swait.ge [sflag:s0], $0x2000  }
0x72: {  	[sflag:s0] =	ssyncset.done $0x0;
	s14 =	rddreg [dreg:$0xa]  }
0x73: {  	[sflag:s0] =	ssyncadd.s32 $0xFFFFE000;
	s29 =	sadd.s32 s22, s14  }
0x74: {  	[hbm4b:s29+s3] =	stream.linear.scatter [tilespmem:s23], [sflag:$0x10], $0x2000, $0x38;
	[tilespmem:$0x15C00] =	vst v63  }
0x75: {  	_ =	swait.ge [sflag:s2], $0x2000  }
0x76: {  	[sflag:s2] =	ssyncset.done $0x0  }
0x77: {  	s14 =	sadd.s32 $0x30000, s26;
	[sflag:s2] =	ssyncadd.s32 $0xFFFFE000  }
0x78: {  	[hbm4b:s14+s3] =	stream.linear.scatter [tilespmem:s25], [sflag:$0x11], $0x2000, $0x38;
	[tilespmem:$0x15C00] =	vst v63  }
0x79: {  	_ =	swait.ge [sflag:s15], $0x2000  }
0x7a: {  	[sflag:s15] =	ssyncset.done $0x0;
	s14 =	rddreg [dreg:$0x9]  }
0x7b: {  	[sflag:s15] =	ssyncadd.s32 $0xFFFFE000;
	s29 =	sadd.s32 s22, s14  }
0x7c: {  	[hbm4b:s29+s3] =	stream.linear.scatter [tilespmem:s28], [sflag:$0x12], $0x2000, $0x38;
	[tilespmem:$0x15C00] =	vst v63  }
0x7d: {  	_ =	swait.ge [sflag:s6], $0x2000  }
0x7e: {  	[sflag:s6] =	ssyncset.done $0x0  }
0x7f: {  	s26 =	sadd.s32 $0x40000, s26;
	[sflag:s6] =	ssyncadd.s32 $0xFFFFE000  }
0x80: {  	[hbm4b:s26+s3] =	stream.linear.scatter [tilespmem:s4], [sflag:$0x13], $0x2000, $0x38;
	[tilespmem:$0x15C00] =	vst v63  }
0x81: {  	p0 =	seq.s32 s24, $0x5A00;
	_ =	swait.ge [sflag:s7], $0x2000  }
0x82: {  	s14 =	simm.s32 $0x13C00;
	[sflag:s7] =	ssyncset.done $0x0;
	s29 =	rddreg [dreg:$0x8]  }
.Ltmp2:
0x83: {  	[sflag:s7] =	ssyncadd.s32 $0xFFFFE000;
	s26 =	sadd.s32 s22, s29;
	(pc) =	sbr.rel @p0 .LBB2_4-.Ltmp2, $4  }
0x84: {  	[hbm4b:s26+s3] =	stream.linear.scatter [tilespmem:s14], [sflag:$0x14], $0x2000, $0x38;
	[tilespmem:$0x15C00] =	vst v63  }
0x85: {  	_ =	swait.ge [sflag:s5], $0x2000  }
0x86: {  	[sflag:s5] =	ssyncset.done $0x0  }
0x87: {  	s31 =	simm.s32 $0x1C00;
	[sflag:s5] =	ssyncadd.s32 $0xFFFFE000  }
0x88: {  	s26 =	sshra.s32 s24, $0x2  }
0x89: {  	s29 =	sadd.s32 $0x280, s26  }
0x8a: {  	[tilespmem:s31], [sflag:$0x1] =	stream.indirect.gather [hbm4b:s1+s18], $0x80, s29, s18, $0xb8;
	[tilespmem:$0x15C00] =	vst v63  }
0x8b: {  	_ =	swait.ge [sflag:s17], $0x2000  }
0x8c: {  	[sflag:s17] =	ssyncset.done $0x0  }
0x8d: {  	s14 =	simm.s32 $0x3C00;
	s29 =	sadd.s32 $0x2C0, s26;
	[sflag:s17] =	ssyncadd.s32 $0xFFFFE000  }
0x8e: {  	[tilespmem:s14], [sflag:$0x2] =	stream.indirect.gather [hbm4b:s1+s18], $0x80, s29, s18, $0xb8;
	[tilespmem:$0x15C00] =	vst v63  }
0x8f: {  	_ =	swait.ge [sflag:s8], $0x2000  }
0x90: {  	[sflag:s8] =	ssyncset.done $0x0  }
0x91: {  	s29 =	sadd.s32 $0x300, s26;
	s14 =	simm.s32 $0x5C00;
	[sflag:s8] =	ssyncadd.s32 $0xFFFFE000  }
0x92: {  	[tilespmem:s14], [sflag:$0x3] =	stream.indirect.gather [hbm4b:s1+s18], $0x80, s29, s18, $0xb8;
	[tilespmem:$0x15C00] =	vst v63  }
0x93: {  	_ =	swait.ge [sflag:s9], $0x2000  }
0x94: {  	[sflag:s9] =	ssyncset.done $0x0  }
0x95: {  	s29 =	sadd.s32 $0x340, s26;
	[sflag:s9] =	ssyncadd.s32 $0xFFFFE000  }
0x96: {  	[tilespmem:s16], [sflag:$0x4] =	stream.indirect.gather [hbm4b:s1+s18], $0x80, s29, s18, $0xb8;
	[tilespmem:$0x15C00] =	vst v63  }
0x97: {  	_ =	swait.ge [sflag:s10], $0x2000  }
0x98: {  	[sflag:s10] =	ssyncset.done $0x0  }
0x99: {  	s29 =	sadd.s32 $0x380, s26;
	[sflag:s10] =	ssyncadd.s32 $0xFFFFE000  }
0x9a: {  	[tilespmem:s21], [sflag:$0x5] =	stream.indirect.gather [hbm4b:s1+s18], $0x80, s29, s18, $0xb8;
	[tilespmem:$0x15C00] =	vst v63  }
0x9b: {  	_ =	swait.ge [sflag:s11], $0x2000  }
0x9c: {  	[sflag:s11] =	ssyncset.done $0x0  }
0x9d: {  	s29 =	sadd.s32 $0x3C0, s26;
	[sflag:s11] =	ssyncadd.s32 $0xFFFFE000  }
0x9e: {  	[tilespmem:s23], [sflag:$0x6] =	stream.indirect.gather [hbm4b:s1+s18], $0x80, s29, s18, $0xb8;
	[tilespmem:$0x15C00] =	vst v63  }
0x9f: {  	_ =	swait.ge [sflag:s12], $0x2000  }
0xa0: {  	[sflag:s12] =	ssyncset.done $0x0  }
0xa1: {  	s29 =	sadd.s32 $0x400, s26;
	[sflag:s12] =	ssyncadd.s32 $0xFFFFE000  }
0xa2: {  	[tilespmem:s25], [sflag:$0x7] =	stream.indirect.gather [hbm4b:s1+s18], $0x80, s29, s18, $0xb8;
	[tilespmem:$0x15C00] =	vst v63  }
0xa3: {  	_ =	swait.ge [sflag:s13], $0x2000  }
0xa4: {  	[sflag:s13] =	ssyncset.done $0x0  }
0xa5: {  	s29 =	sadd.s32 $0x440, s26;
	[sflag:s13] =	ssyncadd.s32 $0xFFFFE000  }
0xa6: {  	[tilespmem:s28], [sflag:$0x8] =	stream.indirect.gather [hbm4b:s1+s18], $0x80, s29, s18, $0xb8;
	[tilespmem:$0x15C00] =	vst v63  }
0xa7: {  	_ =	swait.ge [sflag:s19], $0x2000  }
0xa8: {  	[sflag:s19] =	ssyncset.done $0x0  }
0xa9: {  	s29 =	sadd.s32 $0x480, s26;
	[sflag:s19] =	ssyncadd.s32 $0xFFFFE000  }
0xaa: {  	[tilespmem:s4], [sflag:$0x9] =	stream.indirect.gather [hbm4b:s1+s18], $0x80, s29, s18, $0xb8;
	[tilespmem:$0x15C00] =	vst v63  }
.Ltmp3:
0xab: {  	_ =	swait.ge [sflag:s20], $0x2000;
	(pc) =	sbr.rel .LBB2_2-.Ltmp3, $4  }
0xac: {  	[sflag:s20] =	ssyncset.done $0x0  }
0xad: {  	s26 =	sadd.s32 $0x4C0, s26;
	s29 =	simm.s32 $0x13C00;
	[sflag:s20] =	ssyncadd.s32 $0xFFFFE000  }
0xae: {  	[tilespmem:s29], [sflag:$0xA] =	stream.indirect.gather [hbm4b:s1+s18], $0x80, s26, s18, $0xb8;
	[tilespmem:$0x15C00] =	vst v63  }
0xaf: {  	s24 =	sadd.s32 $0xA00, s24;
	s22 =	sadd.s32 $0x50000, s22;
	s29 =	simm.s32 $0x1C00  }
.LBB2_5:
0xb0: {  	_ =	sfence.sel $0x180000  }
0xb1: {  	[bflag:$0x0] =	sbarrier.arrive $0xFFFF  }
0xb2: {  	_ =	strace $0x90000047  }
0xb3: {  	s0 =	stileid.u32;
	[bflag:$0x2] =	sbarrier.arrive $0xFFFF  }
0xb4: {  	p0 =	sne.s32 s0, $0x0;
	s0 =	rddreg [dreg:$0x3]  }
0xb5: {  	s0 =	sadd.s32 @!p0 $0x100000, s0  }
0xb6: {  	[sflag:s0] =	ssyncadd.tile.s32 @!p0 $0x1;
	_ =	shalt  }
.Lfunc_end2:
_tile_overlayer_lowered:
.L_overlay_start_2:
0xb7: {  	(tag) =	ssettag $0x2  }
0xb8: {  	s0 =	rddreg [dreg:$0x0];
	s2 =	stileid.u32  }
0xb9: {  	s1 =	rddreg [dreg:$0x1];
	p0 =	sne.s32 s2, $0x0  }
0xba: {  	s3 =	rddreg [dreg:$0x2];
	[bflag:$0x3] =	sbarrier.arrive $0xFFFF;
	s2 =	simm.s32 @!p0 $0x1C15  }
0xbb: {  	[timem:s3], [sflag:s2] =	dma.local @!p0 [hbm:s0], s1  }
0xbc: {  	s0 =	simm.s32 @!p0 $0x15  }
0xbd: {  	_ =	swait.ge @!p0 [sflag:s0], s1  }
0xbe: {  	s1 =	ssub.s32 @!p0 $0x0, s1;
	[sflag:s0] =	ssyncset.done @!p0 $0x0  }
0xbf: {  	[sflag:s0] =	ssyncadd.s32 @!p0 s1  }
0xc0: {  	[bflag:$0x3] =	sbarrier.arrive $0xFFFF  }
0xc1: {  	_ =	shalt  }

</sc_bundles>
